<compile_context>
chip_gen: v7x
topology: tpu7x:2x2x1
jax: 0.10.2.dev20260603
libtpu: 0.0.44.dev20260713+nightly
codegen_flags: <defaults>
</compile_context>

<pallas_src>
import functools

import jax
import jax.numpy as jnp
from jax import lax
from jax.experimental import pallas as pl
from jax.experimental.pallas import tpu as pltpu
from jax.experimental.pallas import tpu_sc as plsc

L = 16
NC = 2
NS = 16


def _matmul_body(x_ref, wt_ref, o_ref):
    o_ref[...] = jnp.dot(x_ref[...], wt_ref[...],
                         preferred_element_type=jnp.float32)


def _support_matmul(x, wt):
    n, d_in = x.shape
    d_out = wt.shape[1]
    blk = 1000
    return pl.pallas_call(
        _matmul_body,
        grid=(n // blk,),
        in_specs=[pl.BlockSpec((blk, d_in), lambda i: (i, 0)),
                  pl.BlockSpec((d_in, d_out), lambda i: (0, 0))],
        out_specs=pl.BlockSpec((blk, d_out), lambda i: (i, 0)),
        out_shape=jax.ShapeDtypeStruct((n, d_out), jnp.float32),
    )(x, wt)


def _combine_body(p_ref, o_ref):
    o_ref[...] = p_ref[0] + p_ref[1]


def _combine(partials, n):
    _, _, d = partials.shape
    blk = 1000
    return pl.pallas_call(
        _combine_body,
        grid=(n // blk,),
        in_specs=[pl.BlockSpec((2, blk, d), lambda i: (0, i, 0))],
        out_specs=pl.BlockSpec((blk, d), lambda i: (i, 0)),
        out_shape=jax.ShapeDtypeStruct((n, d), jnp.float32),
    )(partials)


@functools.lru_cache(maxsize=None)
def _make_sc_scatter(n, e, d):
    nw = NC * NS
    ept = e // nw
    k = 80
    n_chunks = ept // k
    assert e % nw == 0 and ept % k == 0 and k % L == 0 and n_chunks >= 3
    br = 640
    zr = 40
    assert br % zr == 0 and n % zr == 0
    assert (NS - 1) * br < n <= NS * br
    assert n_chunks >= 6
    mesh = plsc.VectorSubcoreMesh(core_axis_name="c", subcore_axis_name="s",
                                  num_cores=NC, num_subcores=NS)

    @functools.partial(
        pl.kernel,
        out_type=jax.ShapeDtypeStruct((NC, n, d), jnp.float32),
        mesh=mesh,
        scratch_types=[
            pltpu.VMEM_SHARED((n, d), jnp.float32),
            pltpu.VMEM((24, k), jnp.int32),
            pltpu.VMEM((4, k, d), jnp.float32),
            pltpu.VMEM((zr, d), jnp.float32),
            pltpu.SemaphoreType.DMA,
            pltpu.SemaphoreType.DMA,
            pltpu.SemaphoreType.DMA,
        ],
    )
    def sc_kernel(support, epack, out, acc, idx_v, rows, stage,
                  sem_i, sem_g, sem_s):
        c = lax.axis_index("c")
        s = lax.axis_index("s")
        wid = s * NC + c
        zero = jnp.zeros((L,), jnp.float32)

        def zrow(r, carry):
            for j in range(d // L):
                stage[r, pl.ds(j * L, L)] = zero
            return carry
        lax.fori_loop(0, zr, zrow, 0)

        r_begin = s * br
        n_blk = (jnp.minimum(n, r_begin + br) - r_begin) // zr

        def zcopy(b, carry):
            pltpu.sync_copy(stage, acc.at[pl.ds(r_begin + b * zr, zr)])
            return carry
        lax.fori_loop(0, n_blk, zcopy, 0)
        plsc.subcore_barrier()

        def idx_load(ci):
            slot = jnp.bitwise_and(ci, 7)
            pltpu.async_copy(epack.at[wid, ci],
                             idx_v.at[pl.ds(slot * 3, 3)], sem_i)

        def wait_idx():
            pltpu.make_async_copy(epack.at[wid, 0], idx_v.at[pl.ds(0, 3)],
                                  sem_i).wait()

        def start_gather(ci, rb):
            slot = jnp.bitwise_and(ci, 7)
            pltpu.async_copy(support.at[idx_v.at[slot * 3]], rows.at[rb],
                             sem_g)

        def wait_gather():
            pltpu.make_async_copy(support.at[idx_v.at[0]], rows.at[0],
                                  sem_g).wait()

        def start_scatter(ci, rb):
            slot = jnp.bitwise_and(ci, 7)
            pltpu.async_copy(rows.at[rb], acc.at[idx_v.at[slot * 3 + 1]],
                             sem_s, add=True)

        def wait_scatter():
            pltpu.make_async_copy(rows.at[0], acc.at[idx_v.at[1]],
                                  sem_s).wait()

        idx_load(0)
        idx_load(1)
        idx_load(2)
        idx_load(3)
        idx_load(4)
        wait_idx()
        start_gather(0, 0)
        wait_idx()
        start_gather(1, 1)
        wait_idx()
        start_gather(2, 2)

        dn = lax.GatherDimensionNumbers(
            offset_dims=(), collapsed_slice_dims=(0,), start_index_map=(0,))

        def chunk_body(ci, carry):
            slot = jnp.bitwise_and(ci, 7)
            rb = jnp.bitwise_and(ci, 3)
            wait_gather()

            def group_body(g, cc):
                w_bits = idx_v[slot * 3 + 2, pl.ds(g * L, L)]
                w_reg = lax.bitcast_convert_type(w_bits, jnp.float32)

                def lane_body(l, cc2):
                    i = g * L + l
                    widx = jnp.full((L,), l, jnp.int32)
                    wvec = lax.gather(
                        w_reg, widx[:, None], dn, slice_sizes=(1,),
                        mode=lax.GatherScatterMode.PROMISE_IN_BOUNDS)
                    for j in range(d // L):
                        sl = pl.ds(j * L, L)
                        rows[rb, i, sl] = rows[rb, i, sl] * wvec
                    return cc2
                lax.fori_loop(0, L, lane_body, 0)
                return cc
            lax.fori_loop(0, k // L, group_body, 0)

            @pl.when(ci + 3 < n_chunks)
            def _():
                wait_idx()

                @pl.when(ci >= 1)
                def _():
                    wait_scatter()
                start_gather(ci + 3, jnp.bitwise_and(ci + 3, 3))

                @pl.when(ci + 5 < n_chunks)
                def _():
                    idx_load(ci + 5)

            start_scatter(ci, rb)
            return carry
        lax.fori_loop(0, n_chunks, chunk_body, 0)
        wait_scatter()
        wait_scatter()
        wait_scatter()
        wait_scatter()
        plsc.subcore_barrier()

        def wout(bb, carry):
            r0 = r_begin + bb * zr
            pltpu.sync_copy(acc.at[pl.ds(r0, zr)], stage)
            pltpu.sync_copy(stage, out.at[c, pl.ds(r0, zr)])
            return carry
        lax.fori_loop(0, n_blk, wout, 0)

    return sc_kernel


def kernel(input, edge_index, edge_weight, W):
    n, _ = input.shape
    d_out = W.shape[0]
    e = edge_weight.shape[0]
    nw = NC * NS
    k = 80
    n_chunks = e // nw // k
    support = _support_matmul(input, W.T)
    dst = edge_index[0].reshape(nw, n_chunks, k)
    src = edge_index[1].reshape(nw, n_chunks, k)
    w_bits = lax.bitcast_convert_type(edge_weight, jnp.int32).reshape(
        nw, n_chunks, k)
    epack = jnp.stack([src, dst, w_bits], axis=2)
    partials = _make_sc_scatter(n, e, d_out)(support, epack)
    return _combine(partials, n)

# --- scband reference (transcript-rebuilt; emitter-appended) ---
"""Pipeline reference for scband-graph-convolution-19782619365995 (READ-ONLY COPY).

The authoritative reference and input builder live on the scoring server;
editing this copy changes nothing except your own understanding.
"""

import jax, jax.numpy as jnp
import numpy as np

N = 10000
E = 320000
D_IN = 128
D_OUT = 128


def setup_inputs(seed: int = 0) -> dict:
    key = jax.random.key(seed)
    k1, k2, k3, k4 = jax.random.split(key, 4)
    x = jax.random.normal(k1, (N, D_IN), dtype=jnp.float32)
    edge_index = jax.random.randint(k2, (2, E), 0, N, dtype=jnp.int32)
    edge_weight = jax.random.uniform(k3, (E,), dtype=jnp.float32)
    # nn.Linear weight has shape [out_features, in_features]; init std = 1/sqrt(in_features)
    stdv = 1.0 / np.sqrt(D_IN)
    W = (jax.random.normal(k4, (D_OUT, D_IN), dtype=jnp.float32) * stdv).astype(jnp.float32)
    return {"input": x, "edge_index": edge_index, "edge_weight": edge_weight, "W": W}


def reference(input, edge_index, edge_weight, W):
    # support = self.W(input)  (Linear, no bias)
    support = input @ W.T
    # output = torch.sparse.mm(adj, support) with adj in COO form:
    #   output[dst] += edge_weight * support[src]
    dst = edge_index[0]
    src = edge_index[1]
    gathered = support[src] * edge_weight[:, None]
    output = jax.ops.segment_sum(gathered, dst, num_segments=N)
    return output

if __name__ == "__main__":
    import jax
    _d = setup_inputs()
    print(jax.jit(kernel)(*tuple(_d.values())))

</pallas_src>

<mosaic_0001>
#map = affine_map<(d0, d1) -> (0, 0)>
#map1 = affine_map<(d0, d1) -> (0, 0, 0, 0)>
#map2 = affine_map<(d0, d1) -> (0, 0, 0)>
module attributes {stable_mosaic.version = 14 : i64} {
  func.func @sc_kernel(%arg0: i32, %arg1: i32, %arg2: memref<10000x128xf32, #tpu.memory_space<hbm>>, %arg3: memref<32x125x3x80xi32, #tpu.memory_space<hbm>>, %arg4: memref<2x10000x128xf32, #tpu.memory_space<hbm>>, %arg5: memref<10000x128xf32, #tpu.memory_space<vmem_shared>>, %arg6: memref<24x80xi32, #tpu.memory_space<vmem>>, %arg7: memref<4x80x128xf32, #tpu.memory_space<vmem>>, %arg8: memref<40x128xf32, #tpu.memory_space<vmem>>, %arg9: memref<!tpu.dma_semaphore, #tpu.memory_space<semaphore_mem>>, %arg10: memref<!tpu.dma_semaphore, #tpu.memory_space<semaphore_mem>>, %arg11: memref<!tpu.dma_semaphore, #tpu.memory_space<semaphore_mem>>) attributes {dimension_semantics = [#tpu.dimension_semantics<core_parallel>, #tpu.dimension_semantics<subcore_parallel>], iteration_bounds = array<i64: 2, 16>, scalar_prefetch = 0 : i64, scratch_operands = 7 : i64, tpu.core_type = #tpu.core_type<sc_vector_subcore>, window_params = [{transform_indices = #map}, {transform_indices = #map1}, {transform_indices = #map2}]} {
    %mul3A = arith.constant 2 : i32
    %mul3A_0 = arith.muli %arg1, %mul3A : i32
    %add3A = arith.addi %mul3A_0, %arg0 : i32
    %broadcast_in_dim3A = arith.constant 0.000000e+00 : f32
    %broadcast_in_dim3A_1 = vector.broadcast %broadcast_in_dim3A : f32 to vector<16xf32>
    %scan3A = arith.constant 0 : i32
    %scan3A_2 = arith.constant 0 : i32
    %scan3A_3 = arith.constant 40 : i32
    %scan3A_4 = arith.addi %scan3A_2, %scan3A_3 : i32
    %scan3A_5 = arith.constant 1 : i32
    scf.for %scan3A_284 = %scan3A_2 to %scan3A_4 step %scan3A_5  : i32 {
      %swap3A = arith.index_cast %scan3A_284 : i32 to index
      %swap3A_285 = arith.constant 0 : index
      %swap3A_286 = tpu.vector_load %arg8[%swap3A, %swap3A_285] {strides = array<i32>} : memref<40x128xf32, #tpu.memory_space<vmem>>, vector<1x16xf32>,
      %swap3A_287 = vector.shape_cast %swap3A_286 : vector<1x16xf32> to vector<16xf32>
      %swap3A_288 = vector.shape_cast %broadcast_in_dim3A_1 : vector<16xf32> to vector<1x16xf32>
      tpu.vector_store %arg8[%swap3A, %swap3A_285], %swap3A_288 {strides = array<i32>} : memref<40x128xf32, #tpu.memory_space<vmem>>, vector<1x16xf32>,
      %swap3A_289 = arith.index_cast %scan3A_284 : i32 to index
      %swap3A_290 = arith.constant 16 : index
      %swap3A_291 = tpu.vector_load %arg8[%swap3A_289, %swap3A_290] {strides = array<i32>} : memref<40x128xf32, #tpu.memory_space<vmem>>, vector<1x16xf32>,
      %swap3A_292 = vector.shape_cast %swap3A_291 : vector<1x16xf32> to vector<16xf32>
      %swap3A_293 = vector.shape_cast %broadcast_in_dim3A_1 : vector<16xf32> to vector<1x16xf32>
      tpu.vector_store %arg8[%swap3A_289, %swap3A_290], %swap3A_293 {strides = array<i32>} : memref<40x128xf32, #tpu.memory_space<vmem>>, vector<1x16xf32>,
      %swap3A_294 = arith.index_cast %scan3A_284 : i32 to index
      %swap3A_295 = arith.constant 32 : index
      %swap3A_296 = tpu.vector_load %arg8[%swap3A_294, %swap3A_295] {strides = array<i32>} : memref<40x128xf32, #tpu.memory_space<vmem>>, vector<1x16xf32>,
      %swap3A_297 = vector.shape_cast %swap3A_296 : vector<1x16xf32> to vector<16xf32>
      %swap3A_298 = vector.shape_cast %broadcast_in_dim3A_1 : vector<16xf32> to vector<1x16xf32>
      tpu.vector_store %arg8[%swap3A_294, %swap3A_295], %swap3A_298 {strides = array<i32>} : memref<40x128xf32, #tpu.memory_space<vmem>>, vector<1x16xf32>,
      %swap3A_299 = arith.index_cast %scan3A_284 : i32 to index
      %swap3A_300 = arith.constant 48 : index
      %swap3A_301 = tpu.vector_load %arg8[%swap3A_299, %swap3A_300] {strides = array<i32>} : memref<40x128xf32, #tpu.memory_space<vmem>>, vector<1x16xf32>,
      %swap3A_302 = vector.shape_cast %swap3A_301 : vector<1x16xf32> to vector<16xf32>
      %swap3A_303 = vector.shape_cast %broadcast_in_dim3A_1 : vector<16xf32> to vector<1x16xf32>
      tpu.vector_store %arg8[%swap3A_299, %swap3A_300], %swap3A_303 {strides = array<i32>} : memref<40x128xf32, #tpu.memory_space<vmem>>, vector<1x16xf32>,
      %swap3A_304 = arith.index_cast %scan3A_284 : i32 to index
      %swap3A_305 = arith.constant 64 : index
      %swap3A_306 = tpu.vector_load %arg8[%swap3A_304, %swap3A_305] {strides = array<i32>} : memref<40x128xf32, #tpu.memory_space<vmem>>, vector<1x16xf32>,
      %swap3A_307 = vector.shape_cast %swap3A_306 : vector<1x16xf32> to vector<16xf32>
      %swap3A_308 = vector.shape_cast %broadcast_in_dim3A_1 : vector<16xf32> to vector<1x16xf32>
      tpu.vector_store %arg8[%swap3A_304, %swap3A_305], %swap3A_308 {strides = array<i32>} : memref<40x128xf32, #tpu.memory_space<vmem>>, vector<1x16xf32>,
      %swap3A_309 = arith.index_cast %scan3A_284 : i32 to index
      %swap3A_310 = arith.constant 80 : index
      %swap3A_311 = tpu.vector_load %arg8[%swap3A_309, %swap3A_310] {strides = array<i32>} : memref<40x128xf32, #tpu.memory_space<vmem>>, vector<1x16xf32>,
      %swap3A_312 = vector.shape_cast %swap3A_311 : vector<1x16xf32> to vector<16xf32>
      %swap3A_313 = vector.shape_cast %broadcast_in_dim3A_1 : vector<16xf32> to vector<1x16xf32>
      tpu.vector_store %arg8[%swap3A_309, %swap3A_310], %swap3A_313 {strides = array<i32>} : memref<40x128xf32, #tpu.memory_space<vmem>>, vector<1x16xf32>,
      %swap3A_314 = arith.index_cast %scan3A_284 : i32 to index
      %swap3A_315 = arith.constant 96 : index
      %swap3A_316 = tpu.vector_load %arg8[%swap3A_314, %swap3A_315] {strides = array<i32>} : memref<40x128xf32, #tpu.memory_space<vmem>>, vector<1x16xf32>,
      %swap3A_317 = vector.shape_cast %swap3A_316 : vector<1x16xf32> to vector<16xf32>
      %swap3A_318 = vector.shape_cast %broadcast_in_dim3A_1 : vector<16xf32> to vector<1x16xf32>
      tpu.vector_store %arg8[%swap3A_314, %swap3A_315], %swap3A_318 {strides = array<i32>} : memref<40x128xf32, #tpu.memory_space<vmem>>, vector<1x16xf32>,
      %swap3A_319 = arith.index_cast %scan3A_284 : i32 to index
      %swap3A_320 = arith.constant 112 : index
      %swap3A_321 = tpu.vector_load %arg8[%swap3A_319, %swap3A_320] {strides = array<i32>} : memref<40x128xf32, #tpu.memory_space<vmem>>, vector<1x16xf32>,
      %swap3A_322 = vector.shape_cast %swap3A_321 : vector<1x16xf32> to vector<16xf32>
      %swap3A_323 = vector.shape_cast %broadcast_in_dim3A_1 : vector<16xf32> to vector<1x16xf32>
      tpu.vector_store %arg8[%swap3A_319, %swap3A_320], %swap3A_323 {strides = array<i32>} : memref<40x128xf32, #tpu.memory_space<vmem>>, vector<1x16xf32>,
    }
    %scan3A_6 = arith.constant 40 : i32
    %mul3A_7 = arith.constant 640 : i32
    %mul3A_8 = arith.muli %arg1, %mul3A_7 : i32
    %add3A_9 = arith.constant 640 : i32
    %add3A_10 = arith.addi %mul3A_8, %add3A_9 : i32
    %min3A = arith.constant 10000 : i32
    %min3A_11 = arith.minsi %min3A, %add3A_10 : i32
    %sub3A = arith.subi %min3A_11, %mul3A_8 : i32
    %jit3A = arith.constant 40 : i32
    %div3A = arith.divsi %sub3A, %jit3A : i32
    %sign3A = arith.constant 0 : i32
    %sign3A_12 = arith.cmpi sgt, %sub3A, %sign3A : i32
    %sign3A_13 = arith.extui %sign3A_12 : i1 to i32
    %sign3A_14 = arith.constant 0 : i32
    %sign3A_15 = arith.cmpi slt, %sub3A, %sign3A_14 : i32
    %sign3A_16 = arith.extui %sign3A_15 : i1 to i32
    %sign3A_17 = arith.subi %sign3A_13, %sign3A_16 : i32
    %sign3A_18 = arith.constant 0 : i32
    %sign3A_19 = arith.cmpi sgt, %jit3A, %sign3A_18 : i32
    %sign3A_20 = arith.extui %sign3A_19 : i1 to i32
    %sign3A_21 = arith.constant 0 : i32
    %sign3A_22 = arith.cmpi slt, %jit3A, %sign3A_21 : i32
    %sign3A_23 = arith.extui %sign3A_22 : i1 to i32
    %sign3A_24 = arith.subi %sign3A_20, %sign3A_23 : i32
    %ne3A = arith.cmpi ne, %sign3A_17, %sign3A_24 : i32
    %rem3A = arith.remsi %sub3A, %jit3A : i32
    %ne3A_25 = arith.constant 0 : i32
    %ne3A_26 = arith.cmpi ne, %rem3A, %ne3A_25 : i32
    %and3A = arith.andi %ne3A, %ne3A_26 : i1
    %sub3A_27 = arith.constant 1 : i32
    %sub3A_28 = arith.subi %div3A, %sub3A_27 : i32
    %select_n3A = arith.select %and3A, %sub3A_28, %div3A : i32
    %while3A = arith.constant 0 : i32
    %while3A_29 = arith.constant 0 : i32
    %while3A_30 = arith.subi %select_n3A, %while3A_29 : i32
    %while3A_31 = arith.addi %while3A_29, %while3A_30 : i32
    %while3A_32 = arith.constant 1 : i32
    %while3A_33 = arith.divsi %while3A_30, %while3A_32 : i32
    %while3A_34 = arith.muli %while3A_33, %while3A_32 : i32
    %while3A_35 = arith.addi %while3A_29, %while3A_34 : i32
    %while3A_36 = arith.constant 1 : i32
    scf.for %while3A_284 = %while3A_29 to %while3A_35 step %while3A_36  : i32 {
      %mul3A_285 = arith.constant 40 : i32
      %mul3A_286 = arith.muli %while3A_284, %mul3A_285 : i32
      %add3A_287 = arith.addi %mul3A_8, %mul3A_286 : i32
      "tpu.region"() ({
        %run_scoped3A = tpu.sem_alloc : memref<!tpu.dma_semaphore, #tpu.memory_space<semaphore_mem>>
        %dma_start3A_288 = arith.constant 0 : i32
        %dma_start3A_289 = tpu.memref_slice %arg5[%add3A_287, %dma_start3A_288] : memref<10000x128xf32, #tpu.memory_space<vmem_shared>> -> memref<40x128xf32, #tpu.memory_space<vmem_shared>>
        %dma_start3A_290 = arith.constant 0 : i32
        %dma_start3A_291 = tpu.memref_slice %arg5[%add3A_287, %dma_start3A_290] : memref<10000x128xf32, #tpu.memory_space<vmem_shared>> -> memref<40x128xf32, #tpu.memory_space<vmem_shared>>
        tpu.enqueue_dma source(%arg8 : memref<40x128xf32, #tpu.memory_space<vmem>>) target(%dma_start3A_291 : memref<40x128xf32, #tpu.memory_space<vmem_shared>>) target_semaphore(%run_scoped3A : memref<!tpu.dma_semaphore, #tpu.memory_space<semaphore_mem>>)
        %dma_wait3A_292 = arith.constant 0 : i32
        %dma_wait3A_293 = tpu.memref_slice %arg5[%add3A_287, %dma_wait3A_292] : memref<10000x128xf32, #tpu.memory_space<vmem_shared>> -> memref<40x128xf32, #tpu.memory_space<vmem_shared>>
        %dma_wait3A_294 = arith.constant 0 : i32
        %dma_wait3A_295 = tpu.memref_slice %arg5[%add3A_287, %dma_wait3A_294] : memref<10000x128xf32, #tpu.memory_space<vmem_shared>> -> memref<40x128xf32, #tpu.memory_space<vmem_shared>>
        tpu.wait_dma2 semaphore(%run_scoped3A : memref<!tpu.dma_semaphore, #tpu.memory_space<semaphore_mem>>) src(%arg8 : memref<40x128xf32, #tpu.memory_space<vmem>>) dst(%dma_wait3A_295 : memref<40x128xf32, #tpu.memory_space<vmem_shared>>)
        tpu.yield
      }) : () -> ()
    }
    %while3A_37 = arith.constant 1 : i32
    scf.for %while3A_284 = %while3A_35 to %while3A_31 step %while3A_37  : i32 {
      %mul3A_285 = arith.constant 40 : i32
      %mul3A_286 = arith.muli %while3A_284, %mul3A_285 : i32
      %add3A_287 = arith.addi %mul3A_8, %mul3A_286 : i32
      "tpu.region"() ({
        %run_scoped3A = tpu.sem_alloc : memref<!tpu.dma_semaphore, #tpu.memory_space<semaphore_mem>>
        %dma_start3A_288 = arith.constant 0 : i32
        %dma_start3A_289 = tpu.memref_slice %arg5[%add3A_287, %dma_start3A_288] : memref<10000x128xf32, #tpu.memory_space<vmem_shared>> -> memref<40x128xf32, #tpu.memory_space<vmem_shared>>
        %dma_start3A_290 = arith.constant 0 : i32
        %dma_start3A_291 = tpu.memref_slice %arg5[%add3A_287, %dma_start3A_290] : memref<10000x128xf32, #tpu.memory_space<vmem_shared>> -> memref<40x128xf32, #tpu.memory_space<vmem_shared>>
        tpu.enqueue_dma source(%arg8 : memref<40x128xf32, #tpu.memory_space<vmem>>) target(%dma_start3A_291 : memref<40x128xf32, #tpu.memory_space<vmem_shared>>) target_semaphore(%run_scoped3A : memref<!tpu.dma_semaphore, #tpu.memory_space<semaphore_mem>>)
        %dma_wait3A_292 = arith.constant 0 : i32
        %dma_wait3A_293 = tpu.memref_slice %arg5[%add3A_287, %dma_wait3A_292] : memref<10000x128xf32, #tpu.memory_space<vmem_shared>> -> memref<40x128xf32, #tpu.memory_space<vmem_shared>>
        %dma_wait3A_294 = arith.constant 0 : i32
        %dma_wait3A_295 = tpu.memref_slice %arg5[%add3A_287, %dma_wait3A_294] : memref<10000x128xf32, #tpu.memory_space<vmem_shared>> -> memref<40x128xf32, #tpu.memory_space<vmem_shared>>
        tpu.wait_dma2 semaphore(%run_scoped3A : memref<!tpu.dma_semaphore, #tpu.memory_space<semaphore_mem>>) src(%arg8 : memref<40x128xf32, #tpu.memory_space<vmem>>) dst(%dma_wait3A_295 : memref<40x128xf32, #tpu.memory_space<vmem_shared>>)
        tpu.yield
      }) : () -> ()
    }
    %barrier3A = arith.constant 0 : index
    tpu.barrier barrier_id(%barrier3A)
    %and3A_38 = arith.constant 0 : i32
    %and3A_39 = arith.constant 7 : i32
    %and3A_40 = arith.andi %and3A_38, %and3A_39 : i32
    %mul3A_41 = arith.constant 3 : i32
    %mul3A_42 = arith.muli %and3A_40, %mul3A_41 : i32
    %dma_start3A = arith.constant 0 : i32
    %dma_start3A_43 = arith.constant 0 : i32
    %dma_start3A_44 = tpu.memref_slice %arg6[%mul3A_42, %dma_start3A_43] : memref<24x80xi32, #tpu.memory_space<vmem>> -> memref<3x80xi32, #tpu.memory_space<vmem>>
    %dma_start3A_45 = arith.constant 0 : i32
    %dma_start3A_46 = arith.constant 0 : i32
    %dma_start3A_47 = tpu.memref_slice %arg3[%add3A, %dma_start3A, %dma_start3A_45, %dma_start3A_46] : memref<32x125x3x80xi32, #tpu.memory_space<hbm>> -> memref<1x1x3x80xi32, #tpu.memory_space<hbm>>
    %dma_start3A_48 = tpu.memref_squeeze %dma_start3A_47 : memref<1x1x3x80xi32, #tpu.memory_space<hbm>> -> memref<3x80xi32, #tpu.memory_space<hbm>>
    %dma_start3A_49 = arith.constant 0 : i32
    %dma_start3A_50 = tpu.memref_slice %arg6[%mul3A_42, %dma_start3A_49] : memref<24x80xi32, #tpu.memory_space<vmem>> -> memref<3x80xi32, #tpu.memory_space<vmem>>
    %dma_start3A_51 = arith.constant 0 : i32
    %dma_start3A_52 = arith.constant 0 : i32
    %dma_start3A_53 = tpu.memref_slice %arg3[%add3A, %dma_start3A, %dma_start3A_51, %dma_start3A_52] : memref<32x125x3x80xi32, #tpu.memory_space<hbm>> -> memref<1x1x3x80xi32, #tpu.memory_space<hbm>>
    %dma_start3A_54 = tpu.memref_squeeze %dma_start3A_53 : memref<1x1x3x80xi32, #tpu.memory_space<hbm>> -> memref<3x80xi32, #tpu.memory_space<hbm>>
    tpu.enqueue_dma source(%dma_start3A_54 : memref<3x80xi32, #tpu.memory_space<hbm>>) target(%dma_start3A_50 : memref<3x80xi32, #tpu.memory_space<vmem>>) target_semaphore(%arg9 : memref<!tpu.dma_semaphore, #tpu.memory_space<semaphore_mem>>)
    %and3A_55 = arith.constant 1 : i32
    %and3A_56 = arith.constant 7 : i32
    %and3A_57 = arith.andi %and3A_55, %and3A_56 : i32
    %mul3A_58 = arith.constant 3 : i32
    %mul3A_59 = arith.muli %and3A_57, %mul3A_58 : i32
    %dma_start3A_60 = arith.constant 1 : i32
    %dma_start3A_61 = arith.constant 0 : i32
    %dma_start3A_62 = tpu.memref_slice %arg6[%mul3A_59, %dma_start3A_61] : memref<24x80xi32, #tpu.memory_space<vmem>> -> memref<3x80xi32, #tpu.memory_space<vmem>>
    %dma_start3A_63 = arith.constant 0 : i32
    %dma_start3A_64 = arith.constant 0 : i32
    %dma_start3A_65 = tpu.memref_slice %arg3[%add3A, %dma_start3A_60, %dma_start3A_63, %dma_start3A_64] : memref<32x125x3x80xi32, #tpu.memory_space<hbm>> -> memref<1x1x3x80xi32, #tpu.memory_space<hbm>>
    %dma_start3A_66 = tpu.memref_squeeze %dma_start3A_65 : memref<1x1x3x80xi32, #tpu.memory_space<hbm>> -> memref<3x80xi32, #tpu.memory_space<hbm>>
    %dma_start3A_67 = arith.constant 0 : i32
    %dma_start3A_68 = tpu.memref_slice %arg6[%mul3A_59, %dma_start3A_67] : memref<24x80xi32, #tpu.memory_space<vmem>> -> memref<3x80xi32, #tpu.memory_space<vmem>>
    %dma_start3A_69 = arith.constant 0 : i32
    %dma_start3A_70 = arith.constant 0 : i32
    %dma_start3A_71 = tpu.memref_slice %arg3[%add3A, %dma_start3A_60, %dma_start3A_69, %dma_start3A_70] : memref<32x125x3x80xi32, #tpu.memory_space<hbm>> -> memref<1x1x3x80xi32, #tpu.memory_space<hbm>>
    %dma_start3A_72 = tpu.memref_squeeze %dma_start3A_71 : memref<1x1x3x80xi32, #tpu.memory_space<hbm>> -> memref<3x80xi32, #tpu.memory_space<hbm>>
    tpu.enqueue_dma source(%dma_start3A_72 : memref<3x80xi32, #tpu.memory_space<hbm>>) target(%dma_start3A_68 : memref<3x80xi32, #tpu.memory_space<vmem>>) target_semaphore(%arg9 : memref<!tpu.dma_semaphore, #tpu.memory_space<semaphore_mem>>)
    %and3A_73 = arith.constant 2 : i32
    %and3A_74 = arith.constant 7 : i32
    %and3A_75 = arith.andi %and3A_73, %and3A_74 : i32
    %mul3A_76 = arith.constant 3 : i32
    %mul3A_77 = arith.muli %and3A_75, %mul3A_76 : i32
    %dma_start3A_78 = arith.constant 2 : i32
    %dma_start3A_79 = arith.constant 0 : i32
    %dma_start3A_80 = tpu.memref_slice %arg6[%mul3A_77, %dma_start3A_79] : memref<24x80xi32, #tpu.memory_space<vmem>> -> memref<3x80xi32, #tpu.memory_space<vmem>>
    %dma_start3A_81 = arith.constant 0 : i32
    %dma_start3A_82 = arith.constant 0 : i32
    %dma_start3A_83 = tpu.memref_slice %arg3[%add3A, %dma_start3A_78, %dma_start3A_81, %dma_start3A_82] : memref<32x125x3x80xi32, #tpu.memory_space<hbm>> -> memref<1x1x3x80xi32, #tpu.memory_space<hbm>>
    %dma_start3A_84 = tpu.memref_squeeze %dma_start3A_83 : memref<1x1x3x80xi32, #tpu.memory_space<hbm>> -> memref<3x80xi32, #tpu.memory_space<hbm>>
    %dma_start3A_85 = arith.constant 0 : i32
    %dma_start3A_86 = tpu.memref_slice %arg6[%mul3A_77, %dma_start3A_85] : memref<24x80xi32, #tpu.memory_space<vmem>> -> memref<3x80xi32, #tpu.memory_space<vmem>>
    %dma_start3A_87 = arith.constant 0 : i32
    %dma_start3A_88 = arith.constant 0 : i32
    %dma_start3A_89 = tpu.memref_slice %arg3[%add3A, %dma_start3A_78, %dma_start3A_87, %dma_start3A_88] : memref<32x125x3x80xi32, #tpu.memory_space<hbm>> -> memref<1x1x3x80xi32, #tpu.memory_space<hbm>>
    %dma_start3A_90 = tpu.memref_squeeze %dma_start3A_89 : memref<1x1x3x80xi32, #tpu.memory_space<hbm>> -> memref<3x80xi32, #tpu.memory_space<hbm>>
    tpu.enqueue_dma source(%dma_start3A_90 : memref<3x80xi32, #tpu.memory_space<hbm>>) target(%dma_start3A_86 : memref<3x80xi32, #tpu.memory_space<vmem>>) target_semaphore(%arg9 : memref<!tpu.dma_semaphore, #tpu.memory_space<semaphore_mem>>)
    %and3A_91 = arith.constant 3 : i32
    %and3A_92 = arith.constant 7 : i32
    %and3A_93 = arith.andi %and3A_91, %and3A_92 : i32
    %mul3A_94 = arith.constant 3 : i32
    %mul3A_95 = arith.muli %and3A_93, %mul3A_94 : i32
    %dma_start3A_96 = arith.constant 3 : i32
    %dma_start3A_97 = arith.constant 0 : i32
    %dma_start3A_98 = tpu.memref_slice %arg6[%mul3A_95, %dma_start3A_97] : memref<24x80xi32, #tpu.memory_space<vmem>> -> memref<3x80xi32, #tpu.memory_space<vmem>>
    %dma_start3A_99 = arith.constant 0 : i32
    %dma_start3A_100 = arith.constant 0 : i32
    %dma_start3A_101 = tpu.memref_slice %arg3[%add3A, %dma_start3A_96, %dma_start3A_99, %dma_start3A_100] : memref<32x125x3x80xi32, #tpu.memory_space<hbm>> -> memref<1x1x3x80xi32, #tpu.memory_space<hbm>>
    %dma_start3A_102 = tpu.memref_squeeze %dma_start3A_101 : memref<1x1x3x80xi32, #tpu.memory_space<hbm>> -> memref<3x80xi32, #tpu.memory_space<hbm>>
    %dma_start3A_103 = arith.constant 0 : i32
    %dma_start3A_104 = tpu.memref_slice %arg6[%mul3A_95, %dma_start3A_103] : memref<24x80xi32, #tpu.memory_space<vmem>> -> memref<3x80xi32, #tpu.memory_space<vmem>>
    %dma_start3A_105 = arith.constant 0 : i32
    %dma_start3A_106 = arith.constant 0 : i32
    %dma_start3A_107 = tpu.memref_slice %arg3[%add3A, %dma_start3A_96, %dma_start3A_105, %dma_start3A_106] : memref<32x125x3x80xi32, #tpu.memory_space<hbm>> -> memref<1x1x3x80xi32, #tpu.memory_space<hbm>>
    %dma_start3A_108 = tpu.memref_squeeze %dma_start3A_107 : memref<1x1x3x80xi32, #tpu.memory_space<hbm>> -> memref<3x80xi32, #tpu.memory_space<hbm>>
    tpu.enqueue_dma source(%dma_start3A_108 : memref<3x80xi32, #tpu.memory_space<hbm>>) target(%dma_start3A_104 : memref<3x80xi32, #tpu.memory_space<vmem>>) target_semaphore(%arg9 : memref<!tpu.dma_semaphore, #tpu.memory_space<semaphore_mem>>)
    %and3A_109 = arith.constant 4 : i32
    %and3A_110 = arith.constant 7 : i32
    %and3A_111 = arith.andi %and3A_109, %and3A_110 : i32
    %mul3A_112 = arith.constant 3 : i32
    %mul3A_113 = arith.muli %and3A_111, %mul3A_112 : i32
    %dma_start3A_114 = arith.constant 4 : i32
    %dma_start3A_115 = arith.constant 0 : i32
    %dma_start3A_116 = tpu.memref_slice %arg6[%mul3A_113, %dma_start3A_115] : memref<24x80xi32, #tpu.memory_space<vmem>> -> memref<3x80xi32, #tpu.memory_space<vmem>>
    %dma_start3A_117 = arith.constant 0 : i32
    %dma_start3A_118 = arith.constant 0 : i32
    %dma_start3A_119 = tpu.memref_slice %arg3[%add3A, %dma_start3A_114, %dma_start3A_117, %dma_start3A_118] : memref<32x125x3x80xi32, #tpu.memory_space<hbm>> -> memref<1x1x3x80xi32, #tpu.memory_space<hbm>>
    %dma_start3A_120 = tpu.memref_squeeze %dma_start3A_119 : memref<1x1x3x80xi32, #tpu.memory_space<hbm>> -> memref<3x80xi32, #tpu.memory_space<hbm>>
    %dma_start3A_121 = arith.constant 0 : i32
    %dma_start3A_122 = tpu.memref_slice %arg6[%mul3A_113, %dma_start3A_121] : memref<24x80xi32, #tpu.memory_space<vmem>> -> memref<3x80xi32, #tpu.memory_space<vmem>>
    %dma_start3A_123 = arith.constant 0 : i32
    %dma_start3A_124 = arith.constant 0 : i32
    %dma_start3A_125 = tpu.memref_slice %arg3[%add3A, %dma_start3A_114, %dma_start3A_123, %dma_start3A_124] : memref<32x125x3x80xi32, #tpu.memory_space<hbm>> -> memref<1x1x3x80xi32, #tpu.memory_space<hbm>>
    %dma_start3A_126 = tpu.memref_squeeze %dma_start3A_125 : memref<1x1x3x80xi32, #tpu.memory_space<hbm>> -> memref<3x80xi32, #tpu.memory_space<hbm>>
    tpu.enqueue_dma source(%dma_start3A_126 : memref<3x80xi32, #tpu.memory_space<hbm>>) target(%dma_start3A_122 : memref<3x80xi32, #tpu.memory_space<vmem>>) target_semaphore(%arg9 : memref<!tpu.dma_semaphore, #tpu.memory_space<semaphore_mem>>)
    %dma_wait3A = arith.constant 0 : i32
    %dma_wait3A_127 = arith.constant 0 : i32
    %dma_wait3A_128 = arith.constant 0 : i32
    %dma_wait3A_129 = tpu.memref_slice %arg6[%dma_wait3A_127, %dma_wait3A_128] : memref<24x80xi32, #tpu.memory_space<vmem>> -> memref<3x80xi32, #tpu.memory_space<vmem>>
    %dma_wait3A_130 = arith.constant 0 : i32
    %dma_wait3A_131 = arith.constant 0 : i32
    %dma_wait3A_132 = tpu.memref_slice %arg3[%add3A, %dma_wait3A, %dma_wait3A_130, %dma_wait3A_131] : memref<32x125x3x80xi32, #tpu.memory_space<hbm>> -> memref<1x1x3x80xi32, #tpu.memory_space<hbm>>
    %dma_wait3A_133 = tpu.memref_squeeze %dma_wait3A_132 : memref<1x1x3x80xi32, #tpu.memory_space<hbm>> -> memref<3x80xi32, #tpu.memory_space<hbm>>
    %dma_wait3A_134 = arith.constant 0 : i32
    %dma_wait3A_135 = arith.constant 0 : i32
    %dma_wait3A_136 = tpu.memref_slice %arg6[%dma_wait3A_134, %dma_wait3A_135] : memref<24x80xi32, #tpu.memory_space<vmem>> -> memref<3x80xi32, #tpu.memory_space<vmem>>
    %dma_wait3A_137 = arith.constant 0 : i32
    %dma_wait3A_138 = arith.constant 0 : i32
    %dma_wait3A_139 = tpu.memref_slice %arg3[%add3A, %dma_wait3A, %dma_wait3A_137, %dma_wait3A_138] : memref<32x125x3x80xi32, #tpu.memory_space<hbm>> -> memref<1x1x3x80xi32, #tpu.memory_space<hbm>>
    %dma_wait3A_140 = tpu.memref_squeeze %dma_wait3A_139 : memref<1x1x3x80xi32, #tpu.memory_space<hbm>> -> memref<3x80xi32, #tpu.memory_space<hbm>>
    tpu.wait_dma2 semaphore(%arg9 : memref<!tpu.dma_semaphore, #tpu.memory_space<semaphore_mem>>) src(%dma_wait3A_140 : memref<3x80xi32, #tpu.memory_space<hbm>>) dst(%dma_wait3A_136 : memref<3x80xi32, #tpu.memory_space<vmem>>)
    %and3A_141 = arith.constant 0 : i32
    %and3A_142 = arith.constant 7 : i32
    %and3A_143 = arith.andi %and3A_141, %and3A_142 : i32
    %mul3A_144 = arith.constant 3 : i32
    %mul3A_145 = arith.muli %and3A_143, %mul3A_144 : i32
    %dma_start3A_146 = arith.constant 0 : i32
    %dma_start3A_147 = arith.constant 0 : i32
    %dma_start3A_148 = arith.constant 0 : i32
    %dma_start3A_149 = tpu.memref_slice %arg7[%dma_start3A_146, %dma_start3A_147, %dma_start3A_148] : memref<4x80x128xf32, #tpu.memory_space<vmem>> -> memref<1x80x128xf32, #tpu.memory_space<vmem>>
    %dma_start3A_150 = tpu.memref_squeeze %dma_start3A_149 : memref<1x80x128xf32, #tpu.memory_space<vmem>> -> memref<80x128xf32, #tpu.memory_space<vmem>>
    %dma_start3A_151 = arith.constant 0 : i32
    %dma_start3A_152 = tpu.memref_slice %arg6[%mul3A_145, %dma_start3A_151] : memref<24x80xi32, #tpu.memory_space<vmem>> -> memref<1x80xi32, #tpu.memory_space<vmem>>
    %dma_start3A_153 = tpu.memref_squeeze %dma_start3A_152 : memref<1x80xi32, #tpu.memory_space<vmem>> -> memref<80xi32, #tpu.memory_space<vmem>>
    %dma_start3A_154 = arith.constant 0 : i32
    %dma_start3A_155 = arith.constant 0 : i32
    %dma_start3A_156 = tpu.memref_slice %arg2[%dma_start3A_154, %dma_start3A_155] : memref<10000x128xf32, #tpu.memory_space<hbm>> -> memref<10000x128xf32, #tpu.memory_space<hbm>>
    tpu.enqueue_indirect_dma source(%dma_start3A_156 : memref<10000x128xf32, #tpu.memory_space<hbm>>) target(%dma_start3A_150 : memref<80x128xf32, #tpu.memory_space<vmem>>) offsets(%dma_start3A_153 : memref<80xi32, #tpu.memory_space<vmem>>) semaphore(%arg10 : memref<!tpu.dma_semaphore, #tpu.memory_space<semaphore_mem>>)
    %dma_wait3A_157 = arith.constant 0 : i32
    %dma_wait3A_158 = arith.constant 0 : i32
    %dma_wait3A_159 = arith.constant 0 : i32
    %dma_wait3A_160 = tpu.memref_slice %arg6[%dma_wait3A_158, %dma_wait3A_159] : memref<24x80xi32, #tpu.memory_space<vmem>> -> memref<3x80xi32, #tpu.memory_space<vmem>>
    %dma_wait3A_161 = arith.constant 0 : i32
    %dma_wait3A_162 = arith.constant 0 : i32
    %dma_wait3A_163 = tpu.memref_slice %arg3[%add3A, %dma_wait3A_157, %dma_wait3A_161, %dma_wait3A_162] : memref<32x125x3x80xi32, #tpu.memory_space<hbm>> -> memref<1x1x3x80xi32, #tpu.memory_space<hbm>>
    %dma_wait3A_164 = tpu.memref_squeeze %dma_wait3A_163 : memref<1x1x3x80xi32, #tpu.memory_space<hbm>> -> memref<3x80xi32, #tpu.memory_space<hbm>>
    %dma_wait3A_165 = arith.constant 0 : i32
    %dma_wait3A_166 = arith.constant 0 : i32
    %dma_wait3A_167 = tpu.memref_slice %arg6[%dma_wait3A_165, %dma_wait3A_166] : memref<24x80xi32, #tpu.memory_space<vmem>> -> memref<3x80xi32, #tpu.memory_space<vmem>>
    %dma_wait3A_168 = arith.constant 0 : i32
    %dma_wait3A_169 = arith.constant 0 : i32
    %dma_wait3A_170 = tpu.memref_slice %arg3[%add3A, %dma_wait3A_157, %dma_wait3A_168, %dma_wait3A_169] : memref<32x125x3x80xi32, #tpu.memory_space<hbm>> -> memref<1x1x3x80xi32, #tpu.memory_space<hbm>>
    %dma_wait3A_171 = tpu.memref_squeeze %dma_wait3A_170 : memref<1x1x3x80xi32, #tpu.memory_space<hbm>> -> memref<3x80xi32, #tpu.memory_space<hbm>>
    tpu.wait_dma2 semaphore(%arg9 : memref<!tpu.dma_semaphore, #tpu.memory_space<semaphore_mem>>) src(%dma_wait3A_171 : memref<3x80xi32, #tpu.memory_space<hbm>>) dst(%dma_wait3A_167 : memref<3x80xi32, #tpu.memory_space<vmem>>)
    %and3A_172 = arith.constant 1 : i32
    %and3A_173 = arith.constant 7 : i32
    %and3A_174 = arith.andi %and3A_172, %and3A_173 : i32
    %mul3A_175 = arith.constant 3 : i32
    %mul3A_176 = arith.muli %and3A_174, %mul3A_175 : i32
    %dma_start3A_177 = arith.constant 1 : i32
    %dma_start3A_178 = arith.constant 0 : i32
    %dma_start3A_179 = arith.constant 0 : i32
    %dma_start3A_180 = tpu.memref_slice %arg7[%dma_start3A_177, %dma_start3A_178, %dma_start3A_179] : memref<4x80x128xf32, #tpu.memory_space<vmem>> -> memref<1x80x128xf32, #tpu.memory_space<vmem>>
    %dma_start3A_181 = tpu.memref_squeeze %dma_start3A_180 : memref<1x80x128xf32, #tpu.memory_space<vmem>> -> memref<80x128xf32, #tpu.memory_space<vmem>>
    %dma_start3A_182 = arith.constant 0 : i32
    %dma_start3A_183 = tpu.memref_slice %arg6[%mul3A_176, %dma_start3A_182] : memref<24x80xi32, #tpu.memory_space<vmem>> -> memref<1x80xi32, #tpu.memory_space<vmem>>
    %dma_start3A_184 = tpu.memref_squeeze %dma_start3A_183 : memref<1x80xi32, #tpu.memory_space<vmem>> -> memref<80xi32, #tpu.memory_space<vmem>>
    %dma_start3A_185 = arith.constant 0 : i32
    %dma_start3A_186 = arith.constant 0 : i32
    %dma_start3A_187 = tpu.memref_slice %arg2[%dma_start3A_185, %dma_start3A_186] : memref<10000x128xf32, #tpu.memory_space<hbm>> -> memref<10000x128xf32, #tpu.memory_space<hbm>>
    tpu.enqueue_indirect_dma source(%dma_start3A_187 : memref<10000x128xf32, #tpu.memory_space<hbm>>) target(%dma_start3A_181 : memref<80x128xf32, #tpu.memory_space<vmem>>) offsets(%dma_start3A_184 : memref<80xi32, #tpu.memory_space<vmem>>) semaphore(%arg10 : memref<!tpu.dma_semaphore, #tpu.memory_space<semaphore_mem>>)
    %dma_wait3A_188 = arith.constant 0 : i32
    %dma_wait3A_189 = arith.constant 0 : i32
    %dma_wait3A_190 = arith.constant 0 : i32
    %dma_wait3A_191 = tpu.memref_slice %arg6[%dma_wait3A_189, %dma_wait3A_190] : memref<24x80xi32, #tpu.memory_space<vmem>> -> memref<3x80xi32, #tpu.memory_space<vmem>>
    %dma_wait3A_192 = arith.constant 0 : i32
    %dma_wait3A_193 = arith.constant 0 : i32
    %dma_wait3A_194 = tpu.memref_slice %arg3[%add3A, %dma_wait3A_188, %dma_wait3A_192, %dma_wait3A_193] : memref<32x125x3x80xi32, #tpu.memory_space<hbm>> -> memref<1x1x3x80xi32, #tpu.memory_space<hbm>>
    %dma_wait3A_195 = tpu.memref_squeeze %dma_wait3A_194 : memref<1x1x3x80xi32, #tpu.memory_space<hbm>> -> memref<3x80xi32, #tpu.memory_space<hbm>>
    %dma_wait3A_196 = arith.constant 0 : i32
    %dma_wait3A_197 = arith.constant 0 : i32
    %dma_wait3A_198 = tpu.memref_slice %arg6[%dma_wait3A_196, %dma_wait3A_197] : memref<24x80xi32, #tpu.memory_space<vmem>> -> memref<3x80xi32, #tpu.memory_space<vmem>>
    %dma_wait3A_199 = arith.constant 0 : i32
    %dma_wait3A_200 = arith.constant 0 : i32
    %dma_wait3A_201 = tpu.memref_slice %arg3[%add3A, %dma_wait3A_188, %dma_wait3A_199, %dma_wait3A_200] : memref<32x125x3x80xi32, #tpu.memory_space<hbm>> -> memref<1x1x3x80xi32, #tpu.memory_space<hbm>>
    %dma_wait3A_202 = tpu.memref_squeeze %dma_wait3A_201 : memref<1x1x3x80xi32, #tpu.memory_space<hbm>> -> memref<3x80xi32, #tpu.memory_space<hbm>>
    tpu.wait_dma2 semaphore(%arg9 : memref<!tpu.dma_semaphore, #tpu.memory_space<semaphore_mem>>) src(%dma_wait3A_202 : memref<3x80xi32, #tpu.memory_space<hbm>>) dst(%dma_wait3A_198 : memref<3x80xi32, #tpu.memory_space<vmem>>)
    %and3A_203 = arith.constant 2 : i32
    %and3A_204 = arith.constant 7 : i32
    %and3A_205 = arith.andi %and3A_203, %and3A_204 : i32
    %mul3A_206 = arith.constant 3 : i32
    %mul3A_207 = arith.muli %and3A_205, %mul3A_206 : i32
    %dma_start3A_208 = arith.constant 2 : i32
    %dma_start3A_209 = arith.constant 0 : i32
    %dma_start3A_210 = arith.constant 0 : i32
    %dma_start3A_211 = tpu.memref_slice %arg7[%dma_start3A_208, %dma_start3A_209, %dma_start3A_210] : memref<4x80x128xf32, #tpu.memory_space<vmem>> -> memref<1x80x128xf32, #tpu.memory_space<vmem>>
    %dma_start3A_212 = tpu.memref_squeeze %dma_start3A_211 : memref<1x80x128xf32, #tpu.memory_space<vmem>> -> memref<80x128xf32, #tpu.memory_space<vmem>>
    %dma_start3A_213 = arith.constant 0 : i32
    %dma_start3A_214 = tpu.memref_slice %arg6[%mul3A_207, %dma_start3A_213] : memref<24x80xi32, #tpu.memory_space<vmem>> -> memref<1x80xi32, #tpu.memory_space<vmem>>
    %dma_start3A_215 = tpu.memref_squeeze %dma_start3A_214 : memref<1x80xi32, #tpu.memory_space<vmem>> -> memref<80xi32, #tpu.memory_space<vmem>>
    %dma_start3A_216 = arith.constant 0 : i32
    %dma_start3A_217 = arith.constant 0 : i32
    %dma_start3A_218 = tpu.memref_slice %arg2[%dma_start3A_216, %dma_start3A_217] : memref<10000x128xf32, #tpu.memory_space<hbm>> -> memref<10000x128xf32, #tpu.memory_space<hbm>>
    tpu.enqueue_indirect_dma source(%dma_start3A_218 : memref<10000x128xf32, #tpu.memory_space<hbm>>) target(%dma_start3A_212 : memref<80x128xf32, #tpu.memory_space<vmem>>) offsets(%dma_start3A_215 : memref<80xi32, #tpu.memory_space<vmem>>) semaphore(%arg10 : memref<!tpu.dma_semaphore, #tpu.memory_space<semaphore_mem>>)
    %scan3A_219 = arith.constant 0 : i32
    %scan3A_220 = arith.constant 0 : i32
    %scan3A_221 = arith.constant 125 : i32
    %scan3A_222 = arith.addi %scan3A_220, %scan3A_221 : i32
    %scan3A_223 = arith.constant 1 : i32
    scf.for %scan3A_284 = %scan3A_220 to %scan3A_222 step %scan3A_223  : i32 {
      %and3A_285 = arith.constant 7 : i32
      %and3A_286 = arith.andi %scan3A_284, %and3A_285 : i32
      %and3A_287 = arith.constant 3 : i32
      %and3A_288 = arith.andi %scan3A_284, %and3A_287 : i32
      %dma_wait3A_289 = arith.constant 0 : i32
      %dma_wait3A_290 = arith.constant 0 : i32
      %dma_wait3A_291 = arith.constant 0 : i32
      %dma_wait3A_292 = arith.constant 0 : i32
      %dma_wait3A_293 = tpu.memref_slice %arg7[%dma_wait3A_290, %dma_wait3A_291, %dma_wait3A_292] : memref<4x80x128xf32, #tpu.memory_space<vmem>> -> memref<1x80x128xf32, #tpu.memory_space<vmem>>
      %dma_wait3A_294 = tpu.memref_squeeze %dma_wait3A_293 : memref<1x80x128xf32, #tpu.memory_space<vmem>> -> memref<80x128xf32, #tpu.memory_space<vmem>>
      %dma_wait3A_295 = arith.constant 0 : i32
      %dma_wait3A_296 = tpu.memref_slice %arg6[%dma_wait3A_289, %dma_wait3A_295] : memref<24x80xi32, #tpu.memory_space<vmem>> -> memref<1x80xi32, #tpu.memory_space<vmem>>
      %dma_wait3A_297 = tpu.memref_squeeze %dma_wait3A_296 : memref<1x80xi32, #tpu.memory_space<vmem>> -> memref<80xi32, #tpu.memory_space<vmem>>
      %dma_wait3A_298 = arith.constant 0 : i32
      %dma_wait3A_299 = arith.constant 0 : i32
      %dma_wait3A_300 = tpu.memref_slice %arg2[%dma_wait3A_298, %dma_wait3A_299] : memref<10000x128xf32, #tpu.memory_space<hbm>> -> memref<10000x128xf32, #tpu.memory_space<hbm>>
      tpu.wait_indirect_dma semaphore(%arg10 : memref<!tpu.dma_semaphore, #tpu.memory_space<semaphore_mem>>) src(%dma_wait3A_300 : memref<10000x128xf32, #tpu.memory_space<hbm>>) dst(%dma_wait3A_294 : memref<80x128xf32, #tpu.memory_space<vmem>>)
      %scan3A_301 = arith.constant 0 : i32
      %scan3A_302 = arith.constant 0 : i32
      %scan3A_303 = arith.constant 5 : i32
      %scan3A_304 = arith.addi %scan3A_302, %scan3A_303 : i32
      %scan3A_305 = arith.constant 1 : i32
      scf.for %scan3A_327 = %scan3A_302 to %scan3A_304 step %scan3A_305  : i32 {
        %mul3A_328 = arith.constant 3 : i32
        %mul3A_329 = arith.muli %and3A_286, %mul3A_328 : i32
        %add3A_330 = arith.constant 2 : i32
        %add3A_331 = arith.addi %mul3A_329, %add3A_330 : i32
        %mul3A_332 = arith.constant 16 : i32
        %mul3A_333 = arith.muli %scan3A_327, %mul3A_332 : i32
        %get3A = arith.index_cast %add3A_331 : i32 to index
        %get3A_334 = arith.index_cast %mul3A_333 : i32 to index
        %get3A_335 = tpu.vector_load %arg6[%get3A, %get3A_334] {strides = array<i32>} : memref<24x80xi32, #tpu.memory_space<vmem>>, vector<1x16xi32>,
        %get3A_336 = vector.shape_cast %get3A_335 : vector<1x16xi32> to vector<16xi32>
        %bitcast_convert_type3A = tpu.bitcast %get3A_336 : vector<16xi32> -> vector<16xf32>
        %scan3A_337 = arith.constant 0 : i32
        %scan3A_338 = arith.constant 0 : i32
        %scan3A_339 = arith.constant 16 : i32
        %scan3A_340 = arith.addi %scan3A_338, %scan3A_339 : i32
        %scan3A_341 = arith.constant 1 : i32
        scf.for %scan3A_343 = %scan3A_338 to %scan3A_340 step %scan3A_341  : i32 {
          %mul3A_344 = arith.constant 16 : i32
          %mul3A_345 = arith.muli %scan3A_327, %mul3A_344 : i32
          %add3A_346 = arith.addi %mul3A_345, %scan3A_343 : i32
          %broadcast_in_dim3A_347 = vector.broadcast %scan3A_343 : i32 to vector<16xi32>
          %broadcast_in_dim3A_348 = vector.shape_cast %broadcast_in_dim3A_347 : vector<16xi32> to vector<16x1xi32>
          %gather3A = vector.shape_cast %broadcast_in_dim3A_348 : vector<16x1xi32> to vector<16xi32>
          %gather3A_349 = tpu.dynamic_gather %bitcast_convert_type3A[%gather3A] in [0] : vector<16xf32>, vector<16xi32> -> vector<16xf32>
          %get3A_350 = arith.index_cast %and3A_288 : i32 to index
          %get3A_351 = arith.index_cast %add3A_346 : i32 to index
          %get3A_352 = arith.constant 0 : index
          %get3A_353 = tpu.vector_load %arg7[%get3A_350, %get3A_351, %get3A_352] {strides = array<i32>} : memref<4x80x128xf32, #tpu.memory_space<vmem>>, vector<1x1x16xf32>,
          %get3A_354 = vector.shape_cast %get3A_353 : vector<1x1x16xf32> to vector<16xf32>
          %mul3A_355 = arith.mulf %get3A_354, %gather3A_349 : vector<16xf32>
          %swap3A = arith.index_cast %and3A_288 : i32 to index
          %swap3A_356 = arith.index_cast %add3A_346 : i32 to index
          %swap3A_357 = arith.constant 0 : index
          %swap3A_358 = tpu.vector_load %arg7[%swap3A, %swap3A_356, %swap3A_357] {strides = array<i32>} : memref<4x80x128xf32, #tpu.memory_space<vmem>>, vector<1x1x16xf32>,
          %swap3A_359 = vector.shape_cast %swap3A_358 : vector<1x1x16xf32> to vector<16xf32>
          %swap3A_360 = vector.shape_cast %mul3A_355 : vector<16xf32> to vector<1x1x16xf32>
          tpu.vector_store %arg7[%swap3A, %swap3A_356, %swap3A_357], %swap3A_360 {strides = array<i32>} : memref<4x80x128xf32, #tpu.memory_space<vmem>>, vector<1x1x16xf32>,
          %get3A_361 = arith.index_cast %and3A_288 : i32 to index
          %get3A_362 = arith.index_cast %add3A_346 : i32 to index
          %get3A_363 = arith.constant 16 : index
          %get3A_364 = tpu.vector_load %arg7[%get3A_361, %get3A_362, %get3A_363] {strides = array<i32>} : memref<4x80x128xf32, #tpu.memory_space<vmem>>, vector<1x1x16xf32>,
          %get3A_365 = vector.shape_cast %get3A_364 : vector<1x1x16xf32> to vector<16xf32>
          %mul3A_366 = arith.mulf %get3A_365, %gather3A_349 : vector<16xf32>
          %swap3A_367 = arith.index_cast %and3A_288 : i32 to index
          %swap3A_368 = arith.index_cast %add3A_346 : i32 to index
          %swap3A_369 = arith.constant 16 : index
          %swap3A_370 = tpu.vector_load %arg7[%swap3A_367, %swap3A_368, %swap3A_369] {strides = array<i32>} : memref<4x80x128xf32, #tpu.memory_space<vmem>>, vector<1x1x16xf32>,
          %swap3A_371 = vector.shape_cast %swap3A_370 : vector<1x1x16xf32> to vector<16xf32>
          %swap3A_372 = vector.shape_cast %mul3A_366 : vector<16xf32> to vector<1x1x16xf32>
          tpu.vector_store %arg7[%swap3A_367, %swap3A_368, %swap3A_369], %swap3A_372 {strides = array<i32>} : memref<4x80x128xf32, #tpu.memory_space<vmem>>, vector<1x1x16xf32>,
          %get3A_373 = arith.index_cast %and3A_288 : i32 to index
          %get3A_374 = arith.index_cast %add3A_346 : i32 to index
          %get3A_375 = arith.constant 32 : index
          %get3A_376 = tpu.vector_load %arg7[%get3A_373, %get3A_374, %get3A_375] {strides = array<i32>} : memref<4x80x128xf32, #tpu.memory_space<vmem>>, vector<1x1x16xf32>,
          %get3A_377 = vector.shape_cast %get3A_376 : vector<1x1x16xf32> to vector<16xf32>
          %mul3A_378 = arith.mulf %get3A_377, %gather3A_349 : vector<16xf32>
          %swap3A_379 = arith.index_cast %and3A_288 : i32 to index
          %swap3A_380 = arith.index_cast %add3A_346 : i32 to index
          %swap3A_381 = arith.constant 32 : index
          %swap3A_382 = tpu.vector_load %arg7[%swap3A_379, %swap3A_380, %swap3A_381] {strides = array<i32>} : memref<4x80x128xf32, #tpu.memory_space<vmem>>, vector<1x1x16xf32>,
          %swap3A_383 = vector.shape_cast %swap3A_382 : vector<1x1x16xf32> to vector<16xf32>
          %swap3A_384 = vector.shape_cast %mul3A_378 : vector<16xf32> to vector<1x1x16xf32>
          tpu.vector_store %arg7[%swap3A_379, %swap3A_380, %swap3A_381], %swap3A_384 {strides = array<i32>} : memref<4x80x128xf32, #tpu.memory_space<vmem>>, vector<1x1x16xf32>,
          %get3A_385 = arith.index_cast %and3A_288 : i32 to index
          %get3A_386 = arith.index_cast %add3A_346 : i32 to index
          %get3A_387 = arith.constant 48 : index
          %get3A_388 = tpu.vector_load %arg7[%get3A_385, %get3A_386, %get3A_387] {strides = array<i32>} : memref<4x80x128xf32, #tpu.memory_space<vmem>>, vector<1x1x16xf32>,
          %get3A_389 = vector.shape_cast %get3A_388 : vector<1x1x16xf32> to vector<16xf32>
          %mul3A_390 = arith.mulf %get3A_389, %gather3A_349 : vector<16xf32>
          %swap3A_391 = arith.index_cast %and3A_288 : i32 to index
          %swap3A_392 = arith.index_cast %add3A_346 : i32 to index
          %swap3A_393 = arith.constant 48 : index
          %swap3A_394 = tpu.vector_load %arg7[%swap3A_391, %swap3A_392, %swap3A_393] {strides = array<i32>} : memref<4x80x128xf32, #tpu.memory_space<vmem>>, vector<1x1x16xf32>,
          %swap3A_395 = vector.shape_cast %swap3A_394 : vector<1x1x16xf32> to vector<16xf32>
          %swap3A_396 = vector.shape_cast %mul3A_390 : vector<16xf32> to vector<1x1x16xf32>
          tpu.vector_store %arg7[%swap3A_391, %swap3A_392, %swap3A_393], %swap3A_396 {strides = array<i32>} : memref<4x80x128xf32, #tpu.memory_space<vmem>>, vector<1x1x16xf32>,
          %get3A_397 = arith.index_cast %and3A_288 : i32 to index
          %get3A_398 = arith.index_cast %add3A_346 : i32 to index
          %get3A_399 = arith.constant 64 : index
          %get3A_400 = tpu.vector_load %arg7[%get3A_397, %get3A_398, %get3A_399] {strides = array<i32>} : memref<4x80x128xf32, #tpu.memory_space<vmem>>, vector<1x1x16xf32>,
          %get3A_401 = vector.shape_cast %get3A_400 : vector<1x1x16xf32> to vector<16xf32>
          %mul3A_402 = arith.mulf %get3A_401, %gather3A_349 : vector<16xf32>
          %swap3A_403 = arith.index_cast %and3A_288 : i32 to index
          %swap3A_404 = arith.index_cast %add3A_346 : i32 to index
          %swap3A_405 = arith.constant 64 : index
          %swap3A_406 = tpu.vector_load %arg7[%swap3A_403, %swap3A_404, %swap3A_405] {strides = array<i32>} : memref<4x80x128xf32, #tpu.memory_space<vmem>>, vector<1x1x16xf32>,
          %swap3A_407 = vector.shape_cast %swap3A_406 : vector<1x1x16xf32> to vector<16xf32>
          %swap3A_408 = vector.shape_cast %mul3A_402 : vector<16xf32> to vector<1x1x16xf32>
          tpu.vector_store %arg7[%swap3A_403, %swap3A_404, %swap3A_405], %swap3A_408 {strides = array<i32>} : memref<4x80x128xf32, #tpu.memory_space<vmem>>, vector<1x1x16xf32>,
          %get3A_409 = arith.index_cast %and3A_288 : i32 to index
          %get3A_410 = arith.index_cast %add3A_346 : i32 to index
          %get3A_411 = arith.constant 80 : index
          %get3A_412 = tpu.vector_load %arg7[%get3A_409, %get3A_410, %get3A_411] {strides = array<i32>} : memref<4x80x128xf32, #tpu.memory_space<vmem>>, vector<1x1x16xf32>,
          %get3A_413 = vector.shape_cast %get3A_412 : vector<1x1x16xf32> to vector<16xf32>
          %mul3A_414 = arith.mulf %get3A_413, %gather3A_349 : vector<16xf32>
          %swap3A_415 = arith.index_cast %and3A_288 : i32 to index
          %swap3A_416 = arith.index_cast %add3A_346 : i32 to index
          %swap3A_417 = arith.constant 80 : index
          %swap3A_418 = tpu.vector_load %arg7[%swap3A_415, %swap3A_416, %swap3A_417] {strides = array<i32>} : memref<4x80x128xf32, #tpu.memory_space<vmem>>, vector<1x1x16xf32>,
          %swap3A_419 = vector.shape_cast %swap3A_418 : vector<1x1x16xf32> to vector<16xf32>
          %swap3A_420 = vector.shape_cast %mul3A_414 : vector<16xf32> to vector<1x1x16xf32>
          tpu.vector_store %arg7[%swap3A_415, %swap3A_416, %swap3A_417], %swap3A_420 {strides = array<i32>} : memref<4x80x128xf32, #tpu.memory_space<vmem>>, vector<1x1x16xf32>,
          %get3A_421 = arith.index_cast %and3A_288 : i32 to index
          %get3A_422 = arith.index_cast %add3A_346 : i32 to index
          %get3A_423 = arith.constant 96 : index
          %get3A_424 = tpu.vector_load %arg7[%get3A_421, %get3A_422, %get3A_423] {strides = array<i32>} : memref<4x80x128xf32, #tpu.memory_space<vmem>>, vector<1x1x16xf32>,
          %get3A_425 = vector.shape_cast %get3A_424 : vector<1x1x16xf32> to vector<16xf32>
          %mul3A_426 = arith.mulf %get3A_425, %gather3A_349 : vector<16xf32>
          %swap3A_427 = arith.index_cast %and3A_288 : i32 to index
          %swap3A_428 = arith.index_cast %add3A_346 : i32 to index
          %swap3A_429 = arith.constant 96 : index
          %swap3A_430 = tpu.vector_load %arg7[%swap3A_427, %swap3A_428, %swap3A_429] {strides = array<i32>} : memref<4x80x128xf32, #tpu.memory_space<vmem>>, vector<1x1x16xf32>,
          %swap3A_431 = vector.shape_cast %swap3A_430 : vector<1x1x16xf32> to vector<16xf32>
          %swap3A_432 = vector.shape_cast %mul3A_426 : vector<16xf32> to vector<1x1x16xf32>
          tpu.vector_store %arg7[%swap3A_427, %swap3A_428, %swap3A_429], %swap3A_432 {strides = array<i32>} : memref<4x80x128xf32, #tpu.memory_space<vmem>>, vector<1x1x16xf32>,
          %get3A_433 = arith.index_cast %and3A_288 : i32 to index
          %get3A_434 = arith.index_cast %add3A_346 : i32 to index
          %get3A_435 = arith.constant 112 : index
          %get3A_436 = tpu.vector_load %arg7[%get3A_433, %get3A_434, %get3A_435] {strides = array<i32>} : memref<4x80x128xf32, #tpu.memory_space<vmem>>, vector<1x1x16xf32>,
          %get3A_437 = vector.shape_cast %get3A_436 : vector<1x1x16xf32> to vector<16xf32>
          %mul3A_438 = arith.mulf %get3A_437, %gather3A_349 : vector<16xf32>
          %swap3A_439 = arith.index_cast %and3A_288 : i32 to index
          %swap3A_440 = arith.index_cast %add3A_346 : i32 to index
          %swap3A_441 = arith.constant 112 : index
          %swap3A_442 = tpu.vector_load %arg7[%swap3A_439, %swap3A_440, %swap3A_441] {strides = array<i32>} : memref<4x80x128xf32, #tpu.memory_space<vmem>>, vector<1x1x16xf32>,
          %swap3A_443 = vector.shape_cast %swap3A_442 : vector<1x1x16xf32> to vector<16xf32>
          %swap3A_444 = vector.shape_cast %mul3A_438 : vector<16xf32> to vector<1x1x16xf32>
          tpu.vector_store %arg7[%swap3A_439, %swap3A_440, %swap3A_441], %swap3A_444 {strides = array<i32>} : memref<4x80x128xf32, #tpu.memory_space<vmem>>, vector<1x1x16xf32>,
        }
        %scan3A_342 = arith.constant 16 : i32
      }
      %scan3A_306 = arith.constant 5 : i32
      %add3A_307 = arith.constant 3 : i32
      %add3A_308 = arith.addi %scan3A_284, %add3A_307 : i32
      %lt3A = arith.constant 125 : i32
      %lt3A_309 = arith.cmpi slt, %add3A_308, %lt3A : i32
      %convert_element_type3A = arith.extui %lt3A_309 : i1 to i32
      %cond3A = arith.constant 0 : i32
      %cond3A_310 = arith.cmpi ne, %convert_element_type3A, %cond3A : i32
      scf.if %cond3A_310 {
        %dma_wait3A_327 = arith.constant 0 : i32
        %dma_wait3A_328 = arith.constant 0 : i32
        %dma_wait3A_329 = arith.constant 0 : i32
        %dma_wait3A_330 = tpu.memref_slice %arg6[%dma_wait3A_328, %dma_wait3A_329] : memref<24x80xi32, #tpu.memory_space<vmem>> -> memref<3x80xi32, #tpu.memory_space<vmem>>
        %dma_wait3A_331 = arith.constant 0 : i32
        %dma_wait3A_332 = arith.constant 0 : i32
        %dma_wait3A_333 = tpu.memref_slice %arg3[%add3A, %dma_wait3A_327, %dma_wait3A_331, %dma_wait3A_332] : memref<32x125x3x80xi32, #tpu.memory_space<hbm>> -> memref<1x1x3x80xi32, #tpu.memory_space<hbm>>
        %dma_wait3A_334 = tpu.memref_squeeze %dma_wait3A_333 : memref<1x1x3x80xi32, #tpu.memory_space<hbm>> -> memref<3x80xi32, #tpu.memory_space<hbm>>
        %dma_wait3A_335 = arith.constant 0 : i32
        %dma_wait3A_336 = arith.constant 0 : i32
        %dma_wait3A_337 = tpu.memref_slice %arg6[%dma_wait3A_335, %dma_wait3A_336] : memref<24x80xi32, #tpu.memory_space<vmem>> -> memref<3x80xi32, #tpu.memory_space<vmem>>
        %dma_wait3A_338 = arith.constant 0 : i32
        %dma_wait3A_339 = arith.constant 0 : i32
        %dma_wait3A_340 = tpu.memref_slice %arg3[%add3A, %dma_wait3A_327, %dma_wait3A_338, %dma_wait3A_339] : memref<32x125x3x80xi32, #tpu.memory_space<hbm>> -> memref<1x1x3x80xi32, #tpu.memory_space<hbm>>
        %dma_wait3A_341 = tpu.memref_squeeze %dma_wait3A_340 : memref<1x1x3x80xi32, #tpu.memory_space<hbm>> -> memref<3x80xi32, #tpu.memory_space<hbm>>
        tpu.wait_dma2 semaphore(%arg9 : memref<!tpu.dma_semaphore, #tpu.memory_space<semaphore_mem>>) src(%dma_wait3A_341 : memref<3x80xi32, #tpu.memory_space<hbm>>) dst(%dma_wait3A_337 : memref<3x80xi32, #tpu.memory_space<vmem>>)
        %ge3A = arith.constant 1 : i32
        %ge3A_342 = arith.cmpi sge, %scan3A_284, %ge3A : i32
        %convert_element_type3A_343 = arith.extui %ge3A_342 : i1 to i32
        %cond3A_344 = arith.constant 0 : i32
        %cond3A_345 = arith.cmpi ne, %convert_element_type3A_343, %cond3A_344 : i32
        scf.if %cond3A_345 {
          %dma_wait3A_373 = arith.constant 0 : i32
          %dma_wait3A_374 = arith.constant 1 : i32
          %dma_wait3A_375 = arith.constant 0 : i32
          %dma_wait3A_376 = arith.constant 0 : i32
          %dma_wait3A_377 = tpu.memref_slice %arg7[%dma_wait3A_373, %dma_wait3A_375, %dma_wait3A_376] : memref<4x80x128xf32, #tpu.memory_space<vmem>> -> memref<1x80x128xf32, #tpu.memory_space<vmem>>
          %dma_wait3A_378 = tpu.memref_squeeze %dma_wait3A_377 : memref<1x80x128xf32, #tpu.memory_space<vmem>> -> memref<80x128xf32, #tpu.memory_space<vmem>>
          %dma_wait3A_379 = arith.constant 0 : i32
          %dma_wait3A_380 = tpu.memref_slice %arg6[%dma_wait3A_374, %dma_wait3A_379] : memref<24x80xi32, #tpu.memory_space<vmem>> -> memref<1x80xi32, #tpu.memory_space<vmem>>
          %dma_wait3A_381 = tpu.memref_squeeze %dma_wait3A_380 : memref<1x80xi32, #tpu.memory_space<vmem>> -> memref<80xi32, #tpu.memory_space<vmem>>
          %dma_wait3A_382 = arith.constant 0 : i32
          %dma_wait3A_383 = arith.constant 0 : i32
          %dma_wait3A_384 = tpu.memref_slice %arg5[%dma_wait3A_382, %dma_wait3A_383] : memref<10000x128xf32, #tpu.memory_space<vmem_shared>> -> memref<10000x128xf32, #tpu.memory_space<vmem_shared>>
          tpu.wait_indirect_dma semaphore(%arg11 : memref<!tpu.dma_semaphore, #tpu.memory_space<semaphore_mem>>) src(%dma_wait3A_378 : memref<80x128xf32, #tpu.memory_space<vmem>>) dst(%dma_wait3A_384 : memref<10000x128xf32, #tpu.memory_space<vmem_shared>>)
        } else {
        }
        %add3A_346 = arith.constant 3 : i32
        %add3A_347 = arith.addi %scan3A_284, %add3A_346 : i32
        %add3A_348 = arith.constant 3 : i32
        %add3A_349 = arith.addi %scan3A_284, %add3A_348 : i32
        %and3A_350 = arith.constant 3 : i32
        %and3A_351 = arith.andi %add3A_349, %and3A_350 : i32
        %and3A_352 = arith.constant 7 : i32
        %and3A_353 = arith.andi %add3A_347, %and3A_352 : i32
        %mul3A_354 = arith.constant 3 : i32
        %mul3A_355 = arith.muli %and3A_353, %mul3A_354 : i32
        %dma_start3A_356 = arith.constant 0 : i32
        %dma_start3A_357 = arith.constant 0 : i32
        %dma_start3A_358 = tpu.memref_slice %arg7[%and3A_351, %dma_start3A_356, %dma_start3A_357] : memref<4x80x128xf32, #tpu.memory_space<vmem>> -> memref<1x80x128xf32, #tpu.memory_space<vmem>>
        %dma_start3A_359 = tpu.memref_squeeze %dma_start3A_358 : memref<1x80x128xf32, #tpu.memory_space<vmem>> -> memref<80x128xf32, #tpu.memory_space<vmem>>
        %dma_start3A_360 = arith.constant 0 : i32
        %dma_start3A_361 = tpu.memref_slice %arg6[%mul3A_355, %dma_start3A_360] : memref<24x80xi32, #tpu.memory_space<vmem>> -> memref<1x80xi32, #tpu.memory_space<vmem>>
        %dma_start3A_362 = tpu.memref_squeeze %dma_start3A_361 : memref<1x80xi32, #tpu.memory_space<vmem>> -> memref<80xi32, #tpu.memory_space<vmem>>
        %dma_start3A_363 = arith.constant 0 : i32
        %dma_start3A_364 = arith.constant 0 : i32
        %dma_start3A_365 = tpu.memref_slice %arg2[%dma_start3A_363, %dma_start3A_364] : memref<10000x128xf32, #tpu.memory_space<hbm>> -> memref<10000x128xf32, #tpu.memory_space<hbm>>
        tpu.enqueue_indirect_dma source(%dma_start3A_365 : memref<10000x128xf32, #tpu.memory_space<hbm>>) target(%dma_start3A_359 : memref<80x128xf32, #tpu.memory_space<vmem>>) offsets(%dma_start3A_362 : memref<80xi32, #tpu.memory_space<vmem>>) semaphore(%arg10 : memref<!tpu.dma_semaphore, #tpu.memory_space<semaphore_mem>>)
        %add3A_366 = arith.constant 5 : i32
        %add3A_367 = arith.addi %scan3A_284, %add3A_366 : i32
        %lt3A_368 = arith.constant 125 : i32
        %lt3A_369 = arith.cmpi slt, %add3A_367, %lt3A_368 : i32
        %convert_element_type3A_370 = arith.extui %lt3A_369 : i1 to i32
        %cond3A_371 = arith.constant 0 : i32
        %cond3A_372 = arith.cmpi ne, %convert_element_type3A_370, %cond3A_371 : i32
        scf.if %cond3A_372 {
          %add3A_373 = arith.constant 5 : i32
          %add3A_374 = arith.addi %scan3A_284, %add3A_373 : i32
          %and3A_375 = arith.constant 7 : i32
          %and3A_376 = arith.andi %add3A_374, %and3A_375 : i32
          %mul3A_377 = arith.constant 3 : i32
          %mul3A_378 = arith.muli %and3A_376, %mul3A_377 : i32
          %dma_start3A_379 = arith.constant 0 : i32
          %dma_start3A_380 = tpu.memref_slice %arg6[%mul3A_378, %dma_start3A_379] : memref<24x80xi32, #tpu.memory_space<vmem>> -> memref<3x80xi32, #tpu.memory_space<vmem>>
          %dma_start3A_381 = arith.constant 0 : i32
          %dma_start3A_382 = arith.constant 0 : i32
          %dma_start3A_383 = tpu.memref_slice %arg3[%add3A, %add3A_374, %dma_start3A_381, %dma_start3A_382] : memref<32x125x3x80xi32, #tpu.memory_space<hbm>> -> memref<1x1x3x80xi32, #tpu.memory_space<hbm>>
          %dma_start3A_384 = tpu.memref_squeeze %dma_start3A_383 : memref<1x1x3x80xi32, #tpu.memory_space<hbm>> -> memref<3x80xi32, #tpu.memory_space<hbm>>
          %dma_start3A_385 = arith.constant 0 : i32
          %dma_start3A_386 = tpu.memref_slice %arg6[%mul3A_378, %dma_start3A_385] : memref<24x80xi32, #tpu.memory_space<vmem>> -> memref<3x80xi32, #tpu.memory_space<vmem>>
          %dma_start3A_387 = arith.constant 0 : i32
          %dma_start3A_388 = arith.constant 0 : i32
          %dma_start3A_389 = tpu.memref_slice %arg3[%add3A, %add3A_374, %dma_start3A_387, %dma_start3A_388] : memref<32x125x3x80xi32, #tpu.memory_space<hbm>> -> memref<1x1x3x80xi32, #tpu.memory_space<hbm>>
          %dma_start3A_390 = tpu.memref_squeeze %dma_start3A_389 : memref<1x1x3x80xi32, #tpu.memory_space<hbm>> -> memref<3x80xi32, #tpu.memory_space<hbm>>
          tpu.enqueue_dma source(%dma_start3A_390 : memref<3x80xi32, #tpu.memory_space<hbm>>) target(%dma_start3A_386 : memref<3x80xi32, #tpu.memory_space<vmem>>) target_semaphore(%arg9 : memref<!tpu.dma_semaphore, #tpu.memory_space<semaphore_mem>>)
        } else {
        }
      } else {
      }
      %and3A_311 = arith.constant 7 : i32
      %and3A_312 = arith.andi %scan3A_284, %and3A_311 : i32
      %mul3A_313 = arith.constant 3 : i32
      %mul3A_314 = arith.muli %and3A_312, %mul3A_313 : i32
      %add3A_315 = arith.constant 1 : i32
      %add3A_316 = arith.addi %mul3A_314, %add3A_315 : i32
      %dma_start3A_317 = arith.constant 0 : i32
      %dma_start3A_318 = arith.constant 0 : i32
      %dma_start3A_319 = tpu.memref_slice %arg7[%and3A_288, %dma_start3A_317, %dma_start3A_318] : memref<4x80x128xf32, #tpu.memory_space<vmem>> -> memref<1x80x128xf32, #tpu.memory_space<vmem>>
      %dma_start3A_320 = tpu.memref_squeeze %dma_start3A_319 : memref<1x80x128xf32, #tpu.memory_space<vmem>> -> memref<80x128xf32, #tpu.memory_space<vmem>>
      %dma_start3A_321 = arith.constant 0 : i32
      %dma_start3A_322 = tpu.memref_slice %arg6[%add3A_316, %dma_start3A_321] : memref<24x80xi32, #tpu.memory_space<vmem>> -> memref<1x80xi32, #tpu.memory_space<vmem>>
      %dma_start3A_323 = tpu.memref_squeeze %dma_start3A_322 : memref<1x80xi32, #tpu.memory_space<vmem>> -> memref<80xi32, #tpu.memory_space<vmem>>
      %dma_start3A_324 = arith.constant 0 : i32
      %dma_start3A_325 = arith.constant 0 : i32
      %dma_start3A_326 = tpu.memref_slice %arg5[%dma_start3A_324, %dma_start3A_325] : memref<10000x128xf32, #tpu.memory_space<vmem_shared>> -> memref<10000x128xf32, #tpu.memory_space<vmem_shared>>
      tpu.enqueue_indirect_dma source(%dma_start3A_320 : memref<80x128xf32, #tpu.memory_space<vmem>>) target(%dma_start3A_326 : memref<10000x128xf32, #tpu.memory_space<vmem_shared>>) offsets(%dma_start3A_323 : memref<80xi32, #tpu.memory_space<vmem>>) semaphore(%arg11 : memref<!tpu.dma_semaphore, #tpu.memory_space<semaphore_mem>>) {add = true}
    }
    %scan3A_224 = arith.constant 125 : i32
    %dma_wait3A_225 = arith.constant 0 : i32
    %dma_wait3A_226 = arith.constant 1 : i32
    %dma_wait3A_227 = arith.constant 0 : i32
    %dma_wait3A_228 = arith.constant 0 : i32
    %dma_wait3A_229 = tpu.memref_slice %arg7[%dma_wait3A_225, %dma_wait3A_227, %dma_wait3A_228] : memref<4x80x128xf32, #tpu.memory_space<vmem>> -> memref<1x80x128xf32, #tpu.memory_space<vmem>>
    %dma_wait3A_230 = tpu.memref_squeeze %dma_wait3A_229 : memref<1x80x128xf32, #tpu.memory_space<vmem>> -> memref<80x128xf32, #tpu.memory_space<vmem>>
    %dma_wait3A_231 = arith.constant 0 : i32
    %dma_wait3A_232 = tpu.memref_slice %arg6[%dma_wait3A_226, %dma_wait3A_231] : memref<24x80xi32, #tpu.memory_space<vmem>> -> memref<1x80xi32, #tpu.memory_space<vmem>>
    %dma_wait3A_233 = tpu.memref_squeeze %dma_wait3A_232 : memref<1x80xi32, #tpu.memory_space<vmem>> -> memref<80xi32, #tpu.memory_space<vmem>>
    %dma_wait3A_234 = arith.constant 0 : i32
    %dma_wait3A_235 = arith.constant 0 : i32
    %dma_wait3A_236 = tpu.memref_slice %arg5[%dma_wait3A_234, %dma_wait3A_235] : memref<10000x128xf32, #tpu.memory_space<vmem_shared>> -> memref<10000x128xf32, #tpu.memory_space<vmem_shared>>
    tpu.wait_indirect_dma semaphore(%arg11 : memref<!tpu.dma_semaphore, #tpu.memory_space<semaphore_mem>>) src(%dma_wait3A_230 : memref<80x128xf32, #tpu.memory_space<vmem>>) dst(%dma_wait3A_236 : memref<10000x128xf32, #tpu.memory_space<vmem_shared>>)
    %dma_wait3A_237 = arith.constant 0 : i32
    %dma_wait3A_238 = arith.constant 1 : i32
    %dma_wait3A_239 = arith.constant 0 : i32
    %dma_wait3A_240 = arith.constant 0 : i32
    %dma_wait3A_241 = tpu.memref_slice %arg7[%dma_wait3A_237, %dma_wait3A_239, %dma_wait3A_240] : memref<4x80x128xf32, #tpu.memory_space<vmem>> -> memref<1x80x128xf32, #tpu.memory_space<vmem>>
    %dma_wait3A_242 = tpu.memref_squeeze %dma_wait3A_241 : memref<1x80x128xf32, #tpu.memory_space<vmem>> -> memref<80x128xf32, #tpu.memory_space<vmem>>
    %dma_wait3A_243 = arith.constant 0 : i32
    %dma_wait3A_244 = tpu.memref_slice %arg6[%dma_wait3A_238, %dma_wait3A_243] : memref<24x80xi32, #tpu.memory_space<vmem>> -> memref<1x80xi32, #tpu.memory_space<vmem>>
    %dma_wait3A_245 = tpu.memref_squeeze %dma_wait3A_244 : memref<1x80xi32, #tpu.memory_space<vmem>> -> memref<80xi32, #tpu.memory_space<vmem>>
    %dma_wait3A_246 = arith.constant 0 : i32
    %dma_wait3A_247 = arith.constant 0 : i32
    %dma_wait3A_248 = tpu.memref_slice %arg5[%dma_wait3A_246, %dma_wait3A_247] : memref<10000x128xf32, #tpu.memory_space<vmem_shared>> -> memref<10000x128xf32, #tpu.memory_space<vmem_shared>>
    tpu.wait_indirect_dma semaphore(%arg11 : memref<!tpu.dma_semaphore, #tpu.memory_space<semaphore_mem>>) src(%dma_wait3A_242 : memref<80x128xf32, #tpu.memory_space<vmem>>) dst(%dma_wait3A_248 : memref<10000x128xf32, #tpu.memory_space<vmem_shared>>)
    %dma_wait3A_249 = arith.constant 0 : i32
    %dma_wait3A_250 = arith.constant 1 : i32
    %dma_wait3A_251 = arith.constant 0 : i32
    %dma_wait3A_252 = arith.constant 0 : i32
    %dma_wait3A_253 = tpu.memref_slice %arg7[%dma_wait3A_249, %dma_wait3A_251, %dma_wait3A_252] : memref<4x80x128xf32, #tpu.memory_space<vmem>> -> memref<1x80x128xf32, #tpu.memory_space<vmem>>
    %dma_wait3A_254 = tpu.memref_squeeze %dma_wait3A_253 : memref<1x80x128xf32, #tpu.memory_space<vmem>> -> memref<80x128xf32, #tpu.memory_space<vmem>>
    %dma_wait3A_255 = arith.constant 0 : i32
    %dma_wait3A_256 = tpu.memref_slice %arg6[%dma_wait3A_250, %dma_wait3A_255] : memref<24x80xi32, #tpu.memory_space<vmem>> -> memref<1x80xi32, #tpu.memory_space<vmem>>
    %dma_wait3A_257 = tpu.memref_squeeze %dma_wait3A_256 : memref<1x80xi32, #tpu.memory_space<vmem>> -> memref<80xi32, #tpu.memory_space<vmem>>
    %dma_wait3A_258 = arith.constant 0 : i32
    %dma_wait3A_259 = arith.constant 0 : i32
    %dma_wait3A_260 = tpu.memref_slice %arg5[%dma_wait3A_258, %dma_wait3A_259] : memref<10000x128xf32, #tpu.memory_space<vmem_shared>> -> memref<10000x128xf32, #tpu.memory_space<vmem_shared>>
    tpu.wait_indirect_dma semaphore(%arg11 : memref<!tpu.dma_semaphore, #tpu.memory_space<semaphore_mem>>) src(%dma_wait3A_254 : memref<80x128xf32, #tpu.memory_space<vmem>>) dst(%dma_wait3A_260 : memref<10000x128xf32, #tpu.memory_space<vmem_shared>>)
    %dma_wait3A_261 = arith.constant 0 : i32
    %dma_wait3A_262 = arith.constant 1 : i32
    %dma_wait3A_263 = arith.constant 0 : i32
    %dma_wait3A_264 = arith.constant 0 : i32
    %dma_wait3A_265 = tpu.memref_slice %arg7[%dma_wait3A_261, %dma_wait3A_263, %dma_wait3A_264] : memref<4x80x128xf32, #tpu.memory_space<vmem>> -> memref<1x80x128xf32, #tpu.memory_space<vmem>>
    %dma_wait3A_266 = tpu.memref_squeeze %dma_wait3A_265 : memref<1x80x128xf32, #tpu.memory_space<vmem>> -> memref<80x128xf32, #tpu.memory_space<vmem>>
    %dma_wait3A_267 = arith.constant 0 : i32
    %dma_wait3A_268 = tpu.memref_slice %arg6[%dma_wait3A_262, %dma_wait3A_267] : memref<24x80xi32, #tpu.memory_space<vmem>> -> memref<1x80xi32, #tpu.memory_space<vmem>>
    %dma_wait3A_269 = tpu.memref_squeeze %dma_wait3A_268 : memref<1x80xi32, #tpu.memory_space<vmem>> -> memref<80xi32, #tpu.memory_space<vmem>>
    %dma_wait3A_270 = arith.constant 0 : i32
    %dma_wait3A_271 = arith.constant 0 : i32
    %dma_wait3A_272 = tpu.memref_slice %arg5[%dma_wait3A_270, %dma_wait3A_271] : memref<10000x128xf32, #tpu.memory_space<vmem_shared>> -> memref<10000x128xf32, #tpu.memory_space<vmem_shared>>
    tpu.wait_indirect_dma semaphore(%arg11 : memref<!tpu.dma_semaphore, #tpu.memory_space<semaphore_mem>>) src(%dma_wait3A_266 : memref<80x128xf32, #tpu.memory_space<vmem>>) dst(%dma_wait3A_272 : memref<10000x128xf32, #tpu.memory_space<vmem_shared>>)
    %barrier3A_273 = arith.constant 0 : index
    tpu.barrier barrier_id(%barrier3A_273)
    %while3A_274 = arith.constant 0 : i32
    %while3A_275 = arith.constant 0 : i32
    %while3A_276 = arith.subi %select_n3A, %while3A_275 : i32
    %while3A_277 = arith.addi %while3A_275, %while3A_276 : i32
    %while3A_278 = arith.constant 1 : i32
    %while3A_279 = arith.divsi %while3A_276, %while3A_278 : i32
    %while3A_280 = arith.muli %while3A_279, %while3A_278 : i32
    %while3A_281 = arith.addi %while3A_275, %while3A_280 : i32
    %while3A_282 = arith.constant 1 : i32
    scf.for %while3A_284 = %while3A_275 to %while3A_281 step %while3A_282  : i32 {
      %mul3A_285 = arith.constant 40 : i32
      %mul3A_286 = arith.muli %while3A_284, %mul3A_285 : i32
      %add3A_287 = arith.addi %mul3A_8, %mul3A_286 : i32
      "tpu.region"() ({
        %run_scoped3A = tpu.sem_alloc : memref<!tpu.dma_semaphore, #tpu.memory_space<semaphore_mem>>
        %dma_start3A_288 = arith.constant 0 : i32
        %dma_start3A_289 = tpu.memref_slice %arg5[%add3A_287, %dma_start3A_288] : memref<10000x128xf32, #tpu.memory_space<vmem_shared>> -> memref<40x128xf32, #tpu.memory_space<vmem_shared>>
        %dma_start3A_290 = arith.constant 0 : i32
        %dma_start3A_291 = tpu.memref_slice %arg5[%add3A_287, %dma_start3A_290] : memref<10000x128xf32, #tpu.memory_space<vmem_shared>> -> memref<40x128xf32, #tpu.memory_space<vmem_shared>>
        tpu.enqueue_dma source(%dma_start3A_291 : memref<40x128xf32, #tpu.memory_space<vmem_shared>>) target(%arg8 : memref<40x128xf32, #tpu.memory_space<vmem>>) target_semaphore(%run_scoped3A : memref<!tpu.dma_semaphore, #tpu.memory_space<semaphore_mem>>)
        %dma_wait3A_292 = arith.constant 0 : i32
        %dma_wait3A_293 = tpu.memref_slice %arg5[%add3A_287, %dma_wait3A_292] : memref<10000x128xf32, #tpu.memory_space<vmem_shared>> -> memref<40x128xf32, #tpu.memory_space<vmem_shared>>
        %dma_wait3A_294 = arith.constant 0 : i32
        %dma_wait3A_295 = tpu.memref_slice %arg5[%add3A_287, %dma_wait3A_294] : memref<10000x128xf32, #tpu.memory_space<vmem_shared>> -> memref<40x128xf32, #tpu.memory_space<vmem_shared>>
        tpu.wait_dma2 semaphore(%run_scoped3A : memref<!tpu.dma_semaphore, #tpu.memory_space<semaphore_mem>>) src(%dma_wait3A_295 : memref<40x128xf32, #tpu.memory_space<vmem_shared>>) dst(%arg8 : memref<40x128xf32, #tpu.memory_space<vmem>>)
        tpu.yield
      }) : () -> ()
      "tpu.region"() ({
        %run_scoped3A = tpu.sem_alloc : memref<!tpu.dma_semaphore, #tpu.memory_space<semaphore_mem>>
        %dma_start3A_288 = arith.constant 0 : i32
        %dma_start3A_289 = tpu.memref_slice %arg4[%arg0, %add3A_287, %dma_start3A_288] : memref<2x10000x128xf32, #tpu.memory_space<hbm>> -> memref<1x40x128xf32, #tpu.memory_space<hbm>>
        %dma_start3A_290 = tpu.memref_squeeze %dma_start3A_289 : memref<1x40x128xf32, #tpu.memory_space<hbm>> -> memref<40x128xf32, #tpu.memory_space<hbm>>
        %dma_start3A_291 = arith.constant 0 : i32
        %dma_start3A_292 = tpu.memref_slice %arg4[%arg0, %add3A_287, %dma_start3A_291] : memref<2x10000x128xf32, #tpu.memory_space<hbm>> -> memref<1x40x128xf32, #tpu.memory_space<hbm>>
        %dma_start3A_293 = tpu.memref_squeeze %dma_start3A_292 : memref<1x40x128xf32, #tpu.memory_space<hbm>> -> memref<40x128xf32, #tpu.memory_space<hbm>>
        tpu.enqueue_dma source(%arg8 : memref<40x128xf32, #tpu.memory_space<vmem>>) target(%dma_start3A_293 : memref<40x128xf32, #tpu.memory_space<hbm>>) target_semaphore(%run_scoped3A : memref<!tpu.dma_semaphore, #tpu.memory_space<semaphore_mem>>)
        %dma_wait3A_294 = arith.constant 0 : i32
        %dma_wait3A_295 = tpu.memref_slice %arg4[%arg0, %add3A_287, %dma_wait3A_294] : memref<2x10000x128xf32, #tpu.memory_space<hbm>> -> memref<1x40x128xf32, #tpu.memory_space<hbm>>
        %dma_wait3A_296 = tpu.memref_squeeze %dma_wait3A_295 : memref<1x40x128xf32, #tpu.memory_space<hbm>> -> memref<40x128xf32, #tpu.memory_space<hbm>>
        %dma_wait3A_297 = arith.constant 0 : i32
        %dma_wait3A_298 = tpu.memref_slice %arg4[%arg0, %add3A_287, %dma_wait3A_297] : memref<2x10000x128xf32, #tpu.memory_space<hbm>> -> memref<1x40x128xf32, #tpu.memory_space<hbm>>
        %dma_wait3A_299 = tpu.memref_squeeze %dma_wait3A_298 : memref<1x40x128xf32, #tpu.memory_space<hbm>> -> memref<40x128xf32, #tpu.memory_space<hbm>>
        tpu.wait_dma2 semaphore(%run_scoped3A : memref<!tpu.dma_semaphore, #tpu.memory_space<semaphore_mem>>) src(%arg8 : memref<40x128xf32, #tpu.memory_space<vmem>>) dst(%dma_wait3A_299 : memref<40x128xf32, #tpu.memory_space<hbm>>)
        tpu.yield
      }) : () -> ()
    }
    %while3A_283 = arith.constant 1 : i32
    scf.for %while3A_284 = %while3A_281 to %while3A_277 step %while3A_283  : i32 {
      %mul3A_285 = arith.constant 40 : i32
      %mul3A_286 = arith.muli %while3A_284, %mul3A_285 : i32
      %add3A_287 = arith.addi %mul3A_8, %mul3A_286 : i32
      "tpu.region"() ({
        %run_scoped3A = tpu.sem_alloc : memref<!tpu.dma_semaphore, #tpu.memory_space<semaphore_mem>>
        %dma_start3A_288 = arith.constant 0 : i32
        %dma_start3A_289 = tpu.memref_slice %arg5[%add3A_287, %dma_start3A_288] : memref<10000x128xf32, #tpu.memory_space<vmem_shared>> -> memref<40x128xf32, #tpu.memory_space<vmem_shared>>
        %dma_start3A_290 = arith.constant 0 : i32
        %dma_start3A_291 = tpu.memref_slice %arg5[%add3A_287, %dma_start3A_290] : memref<10000x128xf32, #tpu.memory_space<vmem_shared>> -> memref<40x128xf32, #tpu.memory_space<vmem_shared>>
        tpu.enqueue_dma source(%dma_start3A_291 : memref<40x128xf32, #tpu.memory_space<vmem_shared>>) target(%arg8 : memref<40x128xf32, #tpu.memory_space<vmem>>) target_semaphore(%run_scoped3A : memref<!tpu.dma_semaphore, #tpu.memory_space<semaphore_mem>>)
        %dma_wait3A_292 = arith.constant 0 : i32
        %dma_wait3A_293 = tpu.memref_slice %arg5[%add3A_287, %dma_wait3A_292] : memref<10000x128xf32, #tpu.memory_space<vmem_shared>> -> memref<40x128xf32, #tpu.memory_space<vmem_shared>>
        %dma_wait3A_294 = arith.constant 0 : i32
        %dma_wait3A_295 = tpu.memref_slice %arg5[%add3A_287, %dma_wait3A_294] : memref<10000x128xf32, #tpu.memory_space<vmem_shared>> -> memref<40x128xf32, #tpu.memory_space<vmem_shared>>
        tpu.wait_dma2 semaphore(%run_scoped3A : memref<!tpu.dma_semaphore, #tpu.memory_space<semaphore_mem>>) src(%dma_wait3A_295 : memref<40x128xf32, #tpu.memory_space<vmem_shared>>) dst(%arg8 : memref<40x128xf32, #tpu.memory_space<vmem>>)
        tpu.yield
      }) : () -> ()
      "tpu.region"() ({
        %run_scoped3A = tpu.sem_alloc : memref<!tpu.dma_semaphore, #tpu.memory_space<semaphore_mem>>
        %dma_start3A_288 = arith.constant 0 : i32
        %dma_start3A_289 = tpu.memref_slice %arg4[%arg0, %add3A_287, %dma_start3A_288] : memref<2x10000x128xf32, #tpu.memory_space<hbm>> -> memref<1x40x128xf32, #tpu.memory_space<hbm>>
        %dma_start3A_290 = tpu.memref_squeeze %dma_start3A_289 : memref<1x40x128xf32, #tpu.memory_space<hbm>> -> memref<40x128xf32, #tpu.memory_space<hbm>>
        %dma_start3A_291 = arith.constant 0 : i32
        %dma_start3A_292 = tpu.memref_slice %arg4[%arg0, %add3A_287, %dma_start3A_291] : memref<2x10000x128xf32, #tpu.memory_space<hbm>> -> memref<1x40x128xf32, #tpu.memory_space<hbm>>
        %dma_start3A_293 = tpu.memref_squeeze %dma_start3A_292 : memref<1x40x128xf32, #tpu.memory_space<hbm>> -> memref<40x128xf32, #tpu.memory_space<hbm>>
        tpu.enqueue_dma source(%arg8 : memref<40x128xf32, #tpu.memory_space<vmem>>) target(%dma_start3A_293 : memref<40x128xf32, #tpu.memory_space<hbm>>) target_semaphore(%run_scoped3A : memref<!tpu.dma_semaphore, #tpu.memory_space<semaphore_mem>>)
        %dma_wait3A_294 = arith.constant 0 : i32
        %dma_wait3A_295 = tpu.memref_slice %arg4[%arg0, %add3A_287, %dma_wait3A_294] : memref<2x10000x128xf32, #tpu.memory_space<hbm>> -> memref<1x40x128xf32, #tpu.memory_space<hbm>>
        %dma_wait3A_296 = tpu.memref_squeeze %dma_wait3A_295 : memref<1x40x128xf32, #tpu.memory_space<hbm>> -> memref<40x128xf32, #tpu.memory_space<hbm>>
        %dma_wait3A_297 = arith.constant 0 : i32
        %dma_wait3A_298 = tpu.memref_slice %arg4[%arg0, %add3A_287, %dma_wait3A_297] : memref<2x10000x128xf32, #tpu.memory_space<hbm>> -> memref<1x40x128xf32, #tpu.memory_space<hbm>>
        %dma_wait3A_299 = tpu.memref_squeeze %dma_wait3A_298 : memref<1x40x128xf32, #tpu.memory_space<hbm>> -> memref<40x128xf32, #tpu.memory_space<hbm>>
        tpu.wait_dma2 semaphore(%run_scoped3A : memref<!tpu.dma_semaphore, #tpu.memory_space<semaphore_mem>>) src(%arg8 : memref<40x128xf32, #tpu.memory_space<vmem>>) dst(%dma_wait3A_299 : memref<40x128xf32, #tpu.memory_space<hbm>>)
        tpu.yield
      }) : () -> ()
    }
    return
  }
}

module attributes {stable_mosaic.version = 14 : i64} {
  func.func @_matmul_body(%arg0: i32, %arg1: memref<1000x128xf32, #tpu.memory_space<vmem>>, %arg2: memref<128x128xf32, #tpu.memory_space<vmem>>, %arg3: memref<1000x128xf32, #tpu.memory_space<vmem>>) attributes {dimension_semantics = [#tpu.dimension_semantics<arbitrary>], iteration_bounds = array<i64: 10>, scalar_prefetch = 0 : i64, scratch_operands = 0 : i64, tpu.core_type = #tpu.core_type<tc>, window_params = [{transform_indices = @transform_0, window_bounds = array<i64: 1000, 128>}, {pipeline_mode = #tpu.pipeline_mode<synchronous>, transform_indices = @transform_1, window_bounds = array<i64: 128, 128>}, {transform_indices = @transform_2, window_bounds = array<i64: 1000, 128>}]} {
    %get3A = arith.constant 0 : index
    %get3A_0 = arith.constant 0 : index
    %get3A_1 = vector.load %arg1[%get3A, %get3A_0] : memref<1000x128xf32, #tpu.memory_space<vmem>>, vector<1000x128xf32>
    %get3A_2 = arith.constant 0 : index
    %get3A_3 = arith.constant 0 : index
    %get3A_4 = vector.load %arg2[%get3A_2, %get3A_3] : memref<128x128xf32, #tpu.memory_space<vmem>>, vector<128x128xf32>
    %dot_general3A = arith.constant dense<0.000000e+00> : vector<1000x128xf32>
    %dot_general3A_5 = tpu.matmul %get3A_1, %get3A_4, %dot_general3A {dimension_numbers = #tpu.dot_dimension_numbers<[1], [0], [0], [1], [0, 0, 1, 1], [], []>, transpose_lhs_hint = false} : vector<1000x128xf32>, vector<128x128xf32>, vector<1000x128xf32> -> vector<1000x128xf32>
    %swap3A = arith.constant 0 : index
    %swap3A_6 = arith.constant 0 : index
    %swap3A_7 = vector.load %arg3[%swap3A, %swap3A_6] : memref<1000x128xf32, #tpu.memory_space<vmem>>, vector<1000x128xf32>
    tpu.vector_store %arg3[%swap3A, %swap3A_6], %dot_general3A_5 {strides = array<i32>} : memref<1000x128xf32, #tpu.memory_space<vmem>>, vector<1000x128xf32>,
    return
  }
  func.func @transform_0(%arg0: i32) -> (i32, i32) {
    %c0_i32 = arith.constant 0 : i32
    %c0_i32_0 = arith.constant 0 : i32
    return %arg0, %c0_i32 : i32, i32
  }
  func.func @transform_1(%arg0: i32) -> (i32, i32) {
    %c0_i32 = arith.constant 0 : i32
    %c0_i32_0 = arith.constant 0 : i32
    %c0_i32_1 = arith.constant 0 : i32
    return %c0_i32, %c0_i32_0 : i32, i32
  }
  func.func @transform_2(%arg0: i32) -> (i32, i32) {
    %c0_i32 = arith.constant 0 : i32
    %c0_i32_0 = arith.constant 0 : i32
    return %arg0, %c0_i32 : i32, i32
  }
}

module attributes {stable_mosaic.version = 14 : i64} {
  func.func @_combine_body(%arg0: i32, %arg1: memref<2x1000x128xf32, #tpu.memory_space<vmem>>, %arg2: memref<1000x128xf32, #tpu.memory_space<vmem>>) attributes {dimension_semantics = [#tpu.dimension_semantics<arbitrary>], iteration_bounds = array<i64: 10>, scalar_prefetch = 0 : i64, scratch_operands = 0 : i64, tpu.core_type = #tpu.core_type<tc>, window_params = [{transform_indices = @transform_0, window_bounds = array<i64: 2, 1000, 128>}, {transform_indices = @transform_1, window_bounds = array<i64: 1000, 128>}]} {
    %get3A = arith.constant 0 : index
    %get3A_0 = arith.constant 0 : index
    %get3A_1 = arith.constant 0 : index
    %get3A_2 = vector.load %arg1[%get3A, %get3A_0, %get3A_1] : memref<2x1000x128xf32, #tpu.memory_space<vmem>>, vector<1x1000x128xf32>
    %get3A_3 = vector.shape_cast %get3A_2 : vector<1x1000x128xf32> to vector<1000x128xf32>
    %get3A_4 = arith.constant 1 : index
    %get3A_5 = arith.constant 0 : index
    %get3A_6 = arith.constant 0 : index
    %get3A_7 = vector.load %arg1[%get3A_4, %get3A_5, %get3A_6] : memref<2x1000x128xf32, #tpu.memory_space<vmem>>, vector<1x1000x128xf32>
    %get3A_8 = vector.shape_cast %get3A_7 : vector<1x1000x128xf32> to vector<1000x128xf32>
    %add3A = arith.addf %get3A_3, %get3A_8 : vector<1000x128xf32>
    %swap3A = arith.constant 0 : index
    %swap3A_9 = arith.constant 0 : index
    %swap3A_10 = vector.load %arg2[%swap3A, %swap3A_9] : memref<1000x128xf32, #tpu.memory_space<vmem>>, vector<1000x128xf32>
    tpu.vector_store %arg2[%swap3A, %swap3A_9], %add3A {strides = array<i32>} : memref<1000x128xf32, #tpu.memory_space<vmem>>, vector<1000x128xf32>,
    return
  }
  func.func @transform_0(%arg0: i32) -> (i32, i32, i32) {
    %c0_i32 = arith.constant 0 : i32
    %c0_i32_0 = arith.constant 0 : i32
    %c0_i32_1 = arith.constant 0 : i32
    return %c0_i32, %arg0, %c0_i32_0 : i32, i32, i32
  }
  func.func @transform_1(%arg0: i32) -> (i32, i32) {
    %c0_i32 = arith.constant 0 : i32
    %c0_i32_0 = arith.constant 0 : i32
    return %arg0, %c0_i32 : i32, i32
  }
}

</mosaic_0001>

<sc_bundles>
// kernel: kernel.5.cloned.1.call-start
scs
__scs_entry_jumppad:
0x0: {  	(pc) =	sbr.rel $0x88, $3  }
0x1: {  	(tag) =	ssettag $0x0;
	lr =	simm.s32 $0x1  }
0x2: {  	[smem:$0x3F9D] =	sst lr;
	_ =	strace $0xD0000000  }
0x3: {  	_ = 	snop  }
0x4: {  	_ = 	snop  }
0x5: {  	_ = 	snop  }
0x6: {  	_ = 	snop  }
0x7: {  	_ = 	snop  }
__scs_overlays_trampoline_lowered:
0x8: {  	[smem:$0x3FAC] =	sst s0  }
0x9: {  	[smem:$0x3FAD] =	sst s1  }
0xa: {  	[smem:$0x3FAE] =	sst s2  }
0xb: {  	[smem:$0x3FAF] =	sst s3  }
0xc: {  	[smem:$0x3FB0] =	sst s4  }
0xd: {  	[smem:$0x3FB1] =	sst s5  }
0xe: {  	[smem:$0x3FB2] =	sst s6  }
0xf: {  	[smem:$0x3FB3] =	sst s7  }
0x10: {  	[smem:$0x3FB4] =	sst s8  }
0x11: {  	[smem:$0x3FB5] =	sst s9;
	s0 =	simm.s32 @!p0 $0x0  }
0x12: {  	s1 =	sld [smem:$0x3F9B];
	s0 =	simm.s32 @p0 $0x1  }
0x13: {  	[smem:$0x3FB6] =	sst s0;
	s0 =	simm.s32 @!p1 $0x0  }
0x14: {  	s2 =	sld [smem:$0x3F9A];
	s0 =	simm.s32 @p1 $0x1  }
0x15: {  	[smem:$0x3FB7] =	sst s0;
	s0 =	simm.s32 @!p2 $0x0  }
0x16: {  	s3 =	sld [smem:$0x3FDB];
	s0 =	simm.s32 @p2 $0x1  }
0x17: {  	s4 =	simm.s32 $0x1BF5;
	[smem:$0x3FB9] =	sst s0  }
0x18: {  	s0 =	sld [smem:$0x3F9C];
	_ =	swait.ge [sflag:s4], $0x0  }
0x19: {  	s7 =	sld [smem:$0x3F9D]  }
0x1a: {  	s8 =	sadd.s32 $0xFFFFE003, lr  }
0x1b: {  	s9 =	sadd.s32 $0xFFFFFEF7, lr;
	s5 =	simm.s32 $0xFFFFFFFF;
	p2 =	slt.u32 s8, $0xFFFFF086  }
0x1c: {  	p1 =	slt.u32 s9, $0xF7A;
	s5 =	simm.s32 @!p2 $0x0  }
0x1d: {  	s5 =	simm.s32 @p1 $0x1;
	p0 =	seq.s32 s7, s2  }
0x1e: {  	s7 =	smul.u32 @!p0 $0xF7A, s2;
	p2 =	seq.s32 @!p0 s5, $0x0  }
0x1f: {  	s9 =	smul.u32 $0xF7A, s1;
	s8 =	simm.s32 @!p0 $0x1BF5;
	p2 =	por !p2, p0  }
0x20: {  	[sflag:s8] =	ssyncset.s32 @!p0 $0xFFFFF086;
	s6 =	sadd.s32 @!p0 s3, s7;
	s7 =	simm.s32 @!p0 $0x108  }
0x21: {  	s3 =	sadd.s32 s3, s9;
	s6 =	sadd.s32 @!p0 $0x88, s6;
	s7 =	simm.s32 @p2 $0x1082  }
0x22: {  	[simem:s7], [sflag:s8] =	dma.local @!p0 [hbm:s6], $0xF7A  }
0x23: {  	s9 =	sor.u32 $0xD0000000, s2;
	s6 =	simm.s32 $0x108;
	_ =	swait.ge @!p0 [sflag:s8], $0x0  }
0x24: {  	s3 =	sadd.s32 $0x88, s3;
	s6 =	simm.s32 @!p1 $0x1082;
	[sflag:s4] =	ssyncset.s32 $0xFFFFF086  }
0x25: {  	[simem:s6], [sflag:s4] =	dma.local [hbm:s3], $0xF7A  }
0x26: {  	[smem:$0x3F9D] =	sst s1;
	(tag) =	ssettag s2;
	_ =	strace s9  }
0x27: {  	s1 =	sld [smem:$0x3FAD]  }
0x28: {  	s2 =	sld [smem:$0x3FAE]  }
0x29: {  	s4 =	sld [smem:$0x3FB0]  }
0x2a: {  	p0 =	seq.s32 s5, $0x0;
	s5 =	sld [smem:$0x3FB1]  }
0x2b: {  	s6 =	sld [smem:$0x3FB2]  }
0x2c: {  	s7 =	sld [smem:$0x3FB3]  }
0x2d: {  	s3 =	simm.s32 $0x108;
	s8 =	sld [smem:$0x3FB4]  }
0x2e: {  	s3 =	simm.s32 @!p0 $0x1082;
	s9 =	sld [smem:$0x3FB5]  }
0x2f: {  	lr =	sadd.s32 s0, s3;
	s0 =	sld [smem:$0x3FAC]  }
0x30: {  	s3 =	sld [smem:$0x3FAF]  }
0x31: {  	[smem:$0x3FB8] =	sst s10  }
0x32: {  	s10 =	sld [smem:$0x3FB6];
	_ =	sdelay $0x3  }
0x33: {  	p0 =	seq.s32 s10, $0x1;
	s10 =	sld [smem:$0x3FB8];
	_ =	sdelay $0x3  }
0x34: {  	[smem:$0x3FB8] =	sst s10  }
0x35: {  	s10 =	sld [smem:$0x3FB7];
	_ =	sdelay $0x3  }
0x36: {  	p1 =	seq.s32 s10, $0x1;
	s10 =	sld [smem:$0x3FB8];
	_ =	sdelay $0x3  }
0x37: {  	[smem:$0x3FB8] =	sst s10  }
0x38: {  	s10 =	sld [smem:$0x3FB9]  }
0x39: {  	_ = 	snop;
	(pc) =	sbr.ind lr, $3  }
0x3a: {  	_ = 	snop  }
0x3b: {  	_ = 	snop  }
0x3c: {  	p2 =	seq.s32 s10, $0x1;
	s10 =	sld [smem:$0x3FB8]  }
0x3d: {  	_ =	shalt  }
0x3e: {  	_ =	shalt  }
0x3f: {  	_ =	shalt  }
0x40: {  	_ =	shalt  }
0x41: {  	_ =	shalt  }
0x42: {  	_ =	shalt  }
0x43: {  	_ =	shalt  }
0x44: {  	_ =	shalt  }
0x45: {  	_ =	shalt  }
0x46: {  	_ =	shalt  }
0x47: {  	_ =	shalt  }
0x48: {  	_ =	shalt  }
0x49: {  	_ =	shalt  }
0x4a: {  	_ =	shalt  }
0x4b: {  	_ =	shalt  }
0x4c: {  	_ =	shalt  }
0x4d: {  	_ =	shalt  }
0x4e: {  	_ =	shalt  }
0x4f: {  	_ =	shalt  }
0x50: {  	_ =	shalt  }
0x51: {  	_ =	shalt  }
0x52: {  	_ =	shalt  }
0x53: {  	_ =	shalt  }
0x54: {  	_ =	shalt  }
0x55: {  	_ =	shalt  }
0x56: {  	_ =	shalt  }
0x57: {  	_ =	shalt  }
0x58: {  	_ =	shalt  }
0x59: {  	_ =	shalt  }
0x5a: {  	_ =	shalt  }
0x5b: {  	_ =	shalt  }
0x5c: {  	_ =	shalt  }
0x5d: {  	_ =	shalt  }
0x5e: {  	_ =	shalt  }
0x5f: {  	_ =	shalt  }
0x60: {  	_ =	shalt  }
0x61: {  	_ =	shalt  }
0x62: {  	_ =	shalt  }
0x63: {  	_ =	shalt  }
0x64: {  	_ =	shalt  }
0x65: {  	_ =	shalt  }
0x66: {  	_ =	shalt  }
0x67: {  	_ =	shalt  }
0x68: {  	_ =	shalt  }
0x69: {  	_ =	shalt  }
0x6a: {  	_ =	shalt  }
0x6b: {  	_ =	shalt  }
0x6c: {  	_ =	shalt  }
0x6d: {  	_ =	shalt  }
0x6e: {  	_ =	shalt  }
0x6f: {  	_ =	shalt  }
0x70: {  	_ =	shalt  }
0x71: {  	_ =	shalt  }
0x72: {  	_ =	shalt  }
0x73: {  	_ =	shalt  }
0x74: {  	_ =	shalt  }
0x75: {  	_ =	shalt  }
0x76: {  	_ =	shalt  }
0x77: {  	_ =	shalt  }
0x78: {  	_ =	shalt  }
0x79: {  	_ =	shalt  }
0x7a: {  	_ =	shalt  }
0x7b: {  	_ =	shalt  }
0x7c: {  	_ =	shalt  }
0x7d: {  	_ =	shalt  }
0x7e: {  	_ =	shalt  }
0x7f: {  	_ =	shalt  }
0x80: {  	_ =	shalt  }
0x81: {  	_ =	shalt  }
0x82: {  	_ =	shalt  }
0x83: {  	_ =	shalt  }
0x84: {  	_ =	shalt  }
0x85: {  	_ =	shalt  }
0x86: {  	_ =	shalt  }
0x87: {  	_ =	shalt  }
.Lfunc_end0:
.L_simem_size_0:
called_computation_lowered:
.L_overlay_start_0:
0x88: {  	s2 =	sld [smem:$0x3FD9]  }
0x89: {  	s3 =	sld [smem:$0x3FFE];
	_ =	sdelay $0x1  }
0x8a: {  	s1 =	srdreg.scid  }
0x8b: {  	s0 =	sand.u32 $0x1, s1  }
0x8c: {  	s17 =	sshll.u32 s0, $0xA;
	s2 =	sadd.s32 s3, s2  }
0x8d: {  	s2 =	sadd.s32 s2, s17  }
0x8e: {  	[smem:$0x3FC4] =	sst s2  }
0x8f: {  	_ = 	snop  }
0x90: {  	s2 =	sld [smem:$0x3FD0];
	(tm) =	ssettm $0x1  }
0x91: {  	s18 =	sld [smem:$0x3FFB];
	_ =	sdelay $0x3  }
0x92: {  	_ =	strace s18  }
0x93: {  	s3 =	sld [smem:$0x3FFC];
	_ =	sdelay $0x3  }
0x94: {  	_ =	strace s3  }
0x95: {  	s3 =	sld [smem:$0x3FFD];
	_ =	sdelay $0x3  }
0x96: {  	_ =	strace s3  }
0x97: {  	_ =	strace $0x8FFFFFFF  }
0x98: {  	s19 =	sld [smem:$0x3FDB];
	_ =	sdelay $0x1  }
0x99: {  	s4 =	simm.s32 $_scs_section_size  }
0x9a: {  	s5 =	simm.s32 $_size__tile_overlayer_lowered;
	s6 =	simm.s32 $_tile_overlayer_lowered  }
0x9b: {  	s22 =	simm.s32 $0x1BFF;
	s21 =	sshll.u32 s6, $0x1;
	s3 =	sadd.s32 s4, s19  }
0x9c: {  	s7 =	simm.s32 $0x0;
	s20 =	sshll.u32 s5, $0x1;
	s5 =	sadd.s32 s21, s3  }
0x9d: {  	[timem:s7], [sflag:s22] =	dma.local [hbm:s5], s20  }
0x9e: {  	_ =	swait.ge [sflag:s22], s20  }
0x9f: {  	s4 =	ssub.s32 $0x0, s20;
	[sflag:s22] =	ssyncset.done $0x0  }
0xa0: {  	[sflag:s22] =	ssyncadd.s32 s4;
	_ =	sdelay $0x1  }
0xa1: {  	s23 =	simm.s32 $0x1B8B  }
0xa2: {  	_ =	swait.ge [sflag:s23], $0x1  }
0xa3: {  	[sflag:s23] =	ssyncset.done $0x0  }
0xa4: {  	s25 =	simm.s32 $0x1B8E;
	s24 =	sld [smem:$0x3FFE];
	[sflag:s23] =	ssyncadd.s32 $0xFFFFFFFF  }
0xa5: {  	s26 =	simm.s32 $execute0_lowered;
	[smem:$0x3FD2] =	sst s25  }
0xa6: {  	s5 =	sshll.u32 s26, $0x1;
	_ =	strace $0x80000046;
	[dreg:$0x1] =	wrdreg $0xFFFFFFFF  }
0xa7: {  	s28 =	simm.s32 $_size_execute0_lowered;
	s3 =	sadd.s32 s3, s5;
	[dreg:$0x0] =	wrdreg $0x0  }
0xa8: {  	s5 =	sshll.u32 s28, $0x1;
	[dreg:$0x2] =	wrdreg s3  }
0xa9: {  	[dreg:$0x3] =	wrdreg s5  }
0xaa: {  	[dreg:$0x4] =	wrdreg $0xC0  }
0xab: {  	_ =	task [dreg:s7], $0x5FFFF  }
0xac: {  	[dreg:$0x1] =	wrdreg $0xFFFFFFFF  }
0xad: {  	[dreg:$0x0] =	wrdreg $0x60  }
0xae: {  	[dreg:$0x2] =	wrdreg s2  }
0xaf: {  	[dreg:$0x3] =	wrdreg s24  }
0xb0: {  	[dreg:$0x4] =	wrdreg $0x0  }
0xb1: {  	[dreg:$0x5] =	wrdreg $0x9  }
0xb2: {  	_ =	task.clear_ibuf [dreg:s7], $0x6FFFF;
	_ =	strace $0x90000046  }
0xb3: {  	s29 =	simm.s32 $0x9;
	_ =	strace $0x80000048  }
0xb4: {  	_ =	swait.ge [sflag:s29], $0x1  }
0xb5: {  	[sflag:s29] =	ssyncadd.s32 $0xFFFFFFFF  }
0xb6: {  	_ =	strace $0x90000048  }
0xb7: {  	_ =	sfence  }
0xb8: {  	s30 =	sld [smem:$0x0];
	_ =	sdelay $0x2  }
0xb9: {  	s31 =	sshll.u32 s1, $0xD;
	s1 =	sshrl.u32 s1, $0x2  }
0xba: {  	s3 =	sand.u32 $0x4000, s31;
	s1 =	sadd.s32 s1, s30  }
0xbb: {  	s0 =	sor.u32 s3, s0;
	s1 =	sshll.u32 s1, $0x11  }
0xbc: {  	s0 =	sor.u32 s1, s0  }
0xbd: {  	s0 =	sadd.s32 $0x8F2B, s0  }
0xbe: {  	[sflag:s0] =	ssyncadd.remote.s32 $0x1  }
0xbf: {  	_ =	sfence.sel $0xFFFF  }
0xc0: {  	[dreg:$0x0] =	wrdreg $0xFFFFFFFF;
	(pc) =	sbr.abs _section_cstart, $3  }
0xc1: {  	[dreg:$0x1] =	wrdreg $0xFFFFFFFF  }
0xc2: {  	_ =	task.clear_ibuf [dreg:s7], $0x2FFFF;
	_ =	strace $0x9FFFFFFF  }
0xc3: {  	(tm) =	ssettm $0x7FFFFFFF  }
tec
execute0_lowered:
.L_overlay_start_1:
0x0: {  	(tag) =	ssettag $0x1  }
0x1: {  	s0 =	srdreg.scid;
	s1 =	rddreg [dreg:$0x0]  }
0x2: {  	s14 =	stileid.u32;
	s6 =	rddreg [dreg:$0x1]  }
0x3: {  	s3 =	rddreg [dreg:$0x2];
	s4 =	simm.s32 $0x0;
	s7 =	smul.u32 $0x280, s14  }
0x4: {  	s29 =	simm.s32 $0x2;
	s30 =	simm.s32 $0x3;
	s5 =	smul.u32 $0x14000, s14  }
0x5: {  	s31 =	simm.s32 $0x0;
	s0 =	sand.u32 $0x1, s0;
	s23 =	smul.u32 $0x50000, s14  }
0x6: {  	[smem:$0x7FF] =	sst s4;
	s13 =	sshll.u32 s14, $0x1;
	s2 =	smul.u32 $0x138800, s0  }
0x7: {  	_ =	strace $0x80000047;
	s10 =	ssub.s32 $0x2, s0;
	s0 =	sor.u32 s0, s13  }
0x8: {  	s8 =	smin.u32 s7, $0x2490;
	s12 =	sshrl.u32 s10, $0x1;
	s28 =	sshrl.u32 s23, $0x2  }
0x9: {  	s2 =	sadd.s32 s5, s2;
	s8 =	sadd.s32 $0x280, s8;
	s5 =	sadd.s32 $0xA00, s6  }
0xa: {  	s10 =	ssub.s32 s10, s12;
	s15 =	sadd.s32 s28, s3;
	s2 =	sshrl.u32 s2, $0x3  }
0xb: {  	s9 =	ssub.s32 s8, s7;
	p0 =	sne.s32 s8, s7;
	s8 =	simm.s32 $0x1  }
0xc: {  	s14 =	smax.u32 s10, $0x1;
	s2 =	sadd.s32 s2, s6;
	s16 =	sshll.u32 s9, $0x10  }
0xd: {  	s11 =	smul.u32 $0xFFFFCCCD, s9;
	s9 =	sshra.s32 s9, $0x1F;
	s8 =	simm.s32 @!p0 $0x0  }
0xe: {  	s6 =	sshra.s32 s16, $0x10;
	s20 =	sor.u32 s8, s9;
	s9 =	simm.s32 $0x1  }
0xf: {  	s16 =	sadd.s32 $0x3F200, s2;
	s6 =	smul.u32 $0x6667, s6;
	s11 =	sadd.s32 $0x1998, s11  }
0x10: {  	p6 =	sne.s32 s20, $0x1;
	s20 =	simm.s32 $0x13A00;
	s18 =	sand.u32 $0xFFF8, s11  }
0x11: {  	s11 =	sshll.u32 s11, $0xD;
	s17 =	sshrl.u32 s6, $0x1F;
	s7 =	sshrl.u32 s18, $0x3  }
0x12: {  	s19 =	sshra.s32 s6, $0x14;
	s6 =	smul.u32 $0xFA00, s0;
	s18 =	simm.s32 $0x4  }
0x13: {  	s7 =	sor.u32 s11, s7;
	s21 =	sadd.s32 s17, s19;
	s17 =	simm.s32 $0x1E480  }
0x14: {  	s19 =	simm.s32 $0x13880;
	s7 =	sand.u32 $0xFFFF, s7;
	s22 =	sshrl.u32 s6, $0x3  }
0x15: {  	p1 =	sgt.u32 s7, $0x666;
	s7 =	simm.s32 $0x1;
	s8 =	sadd.s32 s5, s22  }
.Ltmp0:
0x16: {  	p0 =	por !p1, !p6;
	s24 =	sadd.s32 $0x40, s8;
	(pc) =	sbr.rel .LBB2_1-.Ltmp0, $4  }
0x17: {  	s25 =	sadd.s32 $0x80, s8;
	p0 =	por !p0, !p0;
	[dreg:$0x4] =	wrdreg s24  }
0x18: {  	s26 =	sadd.s32 $0xC0, s8;
	[dreg:$0x5] =	wrdreg s25;
	s9 =	simm.s32 @!p0 $0x0  }
0x19: {  	s13 =	sadd.s32 $0x100, s8;
	[dreg:$0x6] =	wrdreg s26;
	s9 =	ssub.s32 s21, s9  }
0x1a: {  	v0 =	vimm.f32 $0.0e+00;
	s24 =	simm.s32 $0x50;
	s21 =	simm.s32 $0x13B80;
	p0 =	slt.s32 s9, $0x1  }
.LBB2_16:
0x1b: {  	[sflag:s18] =	ssyncadd.s32 $0xFFFFEC00  }
.LBB2_17:
0x1c: {  	s31 =	sadd.s32 $0x1, s31  }
0x1d: {  	p1 =	sne.s32 s31, s14  }
.Ltmp1:
0x1e: {  	_ = 	snop;
	(pc) =	sbr.rel @!p1 .LBB2_18-.Ltmp1, $1  }
0x1f: {  	_ =	sdelay $0x3  }
.LBB2_1:
0x20: {  	s0 =	simm.s32 $0x0;
	s2 =	simm.s32 $0x200  }
.LBB2_2:
0x21: {  	p1 =	sne.s32 s2, $0x4E00;
	[tilespmem:s0+$0x1E4F0] =	vst v0  }
0x22: {  	[tilespmem:s0+$0x1E480] =	vst v0  }
0x23: {  	[tilespmem:s0+$0x1E490] =	vst v0  }
.Ltmp2:
0x24: {  	[tilespmem:s0+$0x1E4A0] =	vst v0;
	(pc) =	sbr.rel @p1 .LBB2_2-.Ltmp2, $4  }
0x25: {  	[tilespmem:s0+$0x1E4B0] =	vst v0  }
0x26: {  	[tilespmem:s0+$0x1E4C0] =	vst v0  }
0x27: {  	[tilespmem:s0+$0x1E4D0] =	vst v0  }
0x28: {  	[tilespmem:s0+$0x1E4E0] =	vst v0;
	s0 =	sshra.s32 s2, $0x2;
	s2 =	sadd.s32 $0x200, s2  }
0x29: {  	[tilespmem:s0+$0x1E4F0] =	vst v0  }
0x2a: {  	[tilespmem:s0+$0x1E480] =	vst v0  }
0x2b: {  	[tilespmem:s0+$0x1E490] =	vst v0  }
.Ltmp3:
0x2c: {  	[tilespmem:s0+$0x1E4A0] =	vst v0;
	(pc) =	sbr.rel @p0 .LBB2_7-.Ltmp3, $4  }
0x2d: {  	[tilespmem:s0+$0x1E4B0] =	vst v0  }
0x2e: {  	[tilespmem:s0+$0x1E4C0] =	vst v0  }
0x2f: {  	[tilespmem:s0+$0x1E4D0] =	vst v0  }
0x30: {  	[tilespmem:s0+$0x1E4E0] =	vst v0;
	p1 =	sne.s32 s9, $0x1;
	s2 =	sadd.s32 $0xFFFFFFFF, s9  }
.Ltmp4:
0x31: {  	(pc) =	sbr.rel @!p1 .LBB2_6-.Ltmp4, $4  }
0x32: {  	_ = 	snop  }
0x33: {  	[spmem:s15] =	stream.linear.scatter [tilespmem:s17], [sflag:$0x4], $0x1400, $0x38;
	[tilespmem:$0x1F880] =	vst v63  }
0x34: {  	_ =	swait.ge [sflag:s18], $0x1400  }
0x35: {  	s0 =	sadd.s32 $0xFFFFFFFF, s9;
	s10 =	smov.u32 s15;
	[sflag:s18] =	ssyncset.done $0x0  }
.LBB2_5:
0x36: {  	p2 =	sne.s32 s0, $0x1;
	[sflag:s18] =	ssyncadd.s32 $0xFFFFEC00;
	s10 =	sadd.s32 $0x1400, s10  }
.Ltmp5:
0x37: {  	s0 =	sadd.s32 $0xFFFFFFFF, s0;
	(pc) =	sbr.rel @p2 .LBB2_5-.Ltmp5, $4  }
0x38: {  	_ = 	snop  }
0x39: {  	[spmem:s10] =	stream.linear.scatter [tilespmem:s17], [sflag:$0x4], $0x1400, $0x38;
	[tilespmem:$0x1F880] =	vst v63  }
0x3a: {  	_ =	swait.ge [sflag:s18], $0x1400  }
0x3b: {  	[sflag:s18] =	ssyncset.done $0x0  }
.LBB2_6:
0x3c: {  	[sflag:s18] =	ssyncadd.s32 $0xFFFFEC00  }
.LBB2_7:
0x3d: {  	[bflag:$0x0] =	sbarrier.arrive $0xFFFF;
	s0 =	simm.s32 $0x0  }
0x3e: {  	[tilespmem:s19], [sflag:$0x1] =	stream.linear.gather [hbm4b:s8+s0], $0x180, $0x38;
	[tilespmem:$0x1F880] =	vst v63  }
0x3f: {  	s10 =	rddreg [dreg:$0x4]  }
0x40: {  	[tilespmem:s20], [sflag:$0x1] =	stream.linear.gather [hbm4b:s10+s0], $0x180, $0x38;
	[tilespmem:$0x1F880] =	vst v63  }
0x41: {  	s12 =	rddreg [dreg:$0x5]  }
0x42: {  	[tilespmem:s21], [sflag:$0x1] =	stream.linear.gather [hbm4b:s12+s0], $0x180, $0x38;
	[tilespmem:$0x1F880] =	vst v63  }
0x43: {  	s11 =	simm.s32 $0x13D00;
	s22 =	rddreg [dreg:$0x6]  }
0x44: {  	[tilespmem:s11], [sflag:$0x1] =	stream.linear.gather [hbm4b:s22+s0], $0x180, $0x38;
	[tilespmem:$0x1F880] =	vst v63  }
0x45: {  	s23 =	simm.s32 $0x13E80  }
0x46: {  	[tilespmem:s23], [sflag:$0x1] =	stream.linear.gather [hbm4b:s13+s0], $0x180, $0x38;
	[tilespmem:$0x1F880] =	vst v63  }
0x47: {  	_ =	swait.ge [sflag:s7], $0x180  }
0x48: {  	[sflag:s7] =	ssyncset.done $0x0  }
0x49: {  	s25 =	simm.s32 $0x14480;
	[sflag:s7] =	ssyncadd.s32 $0xFFFFFE80  }
0x4a: {  	[tilespmem:s25], [sflag:$0x2] =	stream.indirect.gather [hbm4b:s1+s24], $0x80, s19, s24, $0xb8;
	[tilespmem:$0x1F880] =	vst v63  }
0x4b: {  	_ =	swait.ge [sflag:s7], $0x180  }
0x4c: {  	[sflag:s7] =	ssyncset.done $0x0  }
0x4d: {  	s26 =	simm.s32 $0x16C80;
	[sflag:s7] =	ssyncadd.s32 $0xFFFFFE80  }
0x4e: {  	[tilespmem:s26], [sflag:$0x2] =	stream.indirect.gather [hbm4b:s1+s24], $0x80, s20, s24, $0xb8;
	[tilespmem:$0x1F880] =	vst v63  }
0x4f: {  	_ =	swait.ge [sflag:s7], $0x180  }
0x50: {  	[sflag:s7] =	ssyncset.done $0x0  }
0x51: {  	s28 =	simm.s32 $0x19480;
	s22 =	simm.s32 $0x0;
	[sflag:s7] =	ssyncadd.s32 $0xFFFFFE80  }
0x52: {  	[tilespmem:s28], [sflag:$0x2] =	stream.indirect.gather [hbm4b:s1+s24], $0x80, s21, s24, $0xb8;
	[tilespmem:$0x1F880] =	vst v63  }
.LBB2_8:
0x53: {  	s10 =	sand.u32 $0x3, s0  }
0x54: {  	s11 =	sand.u32 $0x7, s22;
	s10 =	smul.u32 $0xA000, s10  }
0x55: {  	s12 =	sand.u32 $0x3, s22;
	s11 =	smul.u32 $0x600, s11  }
0x56: {  	_ =	swait.ge [sflag:s29], $0x2800;
	s25 =	smul.u32 $0xA000, s12  }
0x57: {  	[sflag:s29] =	ssyncset.done $0x0;
	s10 =	sshrl.u32 s10, $0x2;
	s23 =	sshrl.u32 s11, $0x2  }
0x58: {  	s26 =	sshrl.u32 s25, $0x2;
	s12 =	sadd.s32 $0x144C0, s10;
	s10 =	sadd.s32 $0x13980, s23  }
0x59: {  	s28 =	simm.s32 $0x0;
	[sflag:s29] =	ssyncadd.s32 $0xFFFFD800;
	s25 =	sadd.s32 $0x14480, s26;
	v1 =	vmov s10  }
.LBB2_9:
0x5a: {  	_ =	sdelay $0x2  }
0x5b: {  	s10 =	sshll.u32 s28, $0x4  }
0x5c: {  	v2 =	vld.idx.msk [tilespmem:v1+s10+$0x0 ss:$0x1], $0xffff;
	_ =	sdelay $0x1  }
0x5d: {  	v7 =	vld [tilespmem:s12+$0xFFFFFFC0]  }
0x5e: {  	v9 =	vld [tilespmem:s12+$0xFFFFFFD0];
	s26 =	simm.s32 $0x0  }
0x5f: {  	v8 =	vld [tilespmem:s12+$0xFFFFFFE0];
	v3 =	vmov s26  }
0x60: {  	v5 =	vld [tilespmem:s12+$0x0];
	v3 =	vperm.xlane v2, v3  }
0x61: {  	v6 =	vld [tilespmem:s12+$0x10]  }
0x62: {  	v4 =	vld [tilespmem:s12+$0x20];
	v10 =	vmul.f32 v7, v3  }
0x63: {  	s11 =	simm.s32 $0x1;
	s26 =	smov.u32 s12;
	s10 =	smov.u32 s12;
	v9 =	vmul.f32 v9, v3;
	v7 =	vld [tilespmem:s12+$0x30]  }
.LBB2_10:
0x64: {  	p2 =	sne.s32 s11, $0xF;
	[tilespmem:s26+$0xFFFFFFC0] =	vst v10;
	v8 =	vmul.f32 v8, v3;
	v10 =	vld [tilespmem:s26+$0xFFFFFFF0];
	s10 =	sadd.s32 $0x80, s10  }
0x65: {  	v11 =	vld [tilespmem:s10+$0xFFFFFFC0];
	[tilespmem:s26+$0xFFFFFFD0] =	vst v9;
	v5 =	vmul.f32 v5, v3  }
0x66: {  	v9 =	vld [tilespmem:s10+$0xFFFFFFD0];
	[tilespmem:s26+$0xFFFFFFE0] =	vst v8;
	v6 =	vmul.f32 v6, v3  }
.Ltmp6:
0x67: {  	v12 =	vmov s11;
	v8 =	vld [tilespmem:s10+$0xFFFFFFE0];
	[tilespmem:s26+$0x0] =	vst v5;
	v4 =	vmul.f32 v4, v3;
	(pc) =	sbr.rel @p2 .LBB2_10-.Ltmp6, $4  }
0x68: {  	v12 =	vperm.xlane v2, v12;
	v5 =	vld [tilespmem:s10+$0x0];
	[tilespmem:s26+$0x10] =	vst v6;
	v7 =	vmul.f32 v7, v3  }
0x69: {  	v6 =	vld [tilespmem:s10+$0x10];
	v13 =	vmul.f32 v10, v3;
	[tilespmem:s26+$0x20] =	vst v4  }
0x6a: {  	v3 =	vmov v12;
	v10 =	vmul.f32 v11, v12;
	v4 =	vld [tilespmem:s10+$0x20];
	[tilespmem:s26+$0x30] =	vst v7  }
0x6b: {  	s11 =	sadd.s32 $0x1, s11;
	v9 =	vmul.f32 v9, v3;
	v7 =	vld [tilespmem:s10+$0x30];
	[tilespmem:s26+$0xFFFFFFF0] =	vst v13;
	s26 =	smov.u32 s10  }
0x6c: {  	[tilespmem:s26+$0xFFFFFFC0] =	vst v10;
	v2 =	vmul.f32 v8, v3;
	v63 =	vld [tilespmem:s26+$0xFFFFFFF0]  }
0x6d: {  	s28 =	sadd.s32 $0x1, s28;
	[tilespmem:s26+$0xFFFFFFD0] =	vst v9;
	v5 =	vmul.f32 v5, v3  }
0x6e: {  	p2 =	sne.s32 s28, $0x5;
	[tilespmem:s26+$0xFFFFFFE0] =	vst v2;
	v2 =	vmul.f32 v6, v3  }
.Ltmp7:
0x6f: {  	[tilespmem:s26+$0x0] =	vst v5;
	v4 =	vmul.f32 v4, v3;
	(pc) =	sbr.rel @p2 .LBB2_9-.Ltmp7, $4  }
0x70: {  	[tilespmem:s26+$0x10] =	vst v2;
	v2 =	vmul.f32 v7, v3  }
0x71: {  	v3 =	vmul.f32 v63, v3;
	[tilespmem:s26+$0x20] =	vst v4  }
0x72: {  	[tilespmem:s26+$0x30] =	vst v2  }
0x73: {  	s12 =	sadd.s32 $0x800, s12;
	[tilespmem:s26+$0xFFFFFFF0] =	vst v3  }
0x74: {  	p2 =	sgt.u32 s22, $0x79  }
0x75: {  	s10 =	simm.s32 @!p2 $0x1  }
0x76: {  	p3 =	seq.s32 @!p2 s22, $0x0;
	_ =	swait.ge @!p2 [sflag:s10], $0x180  }
0x77: {  	s11 =	sadd.s32 $0x3, s22;
	p3 =	por p3, p2;
	[sflag:s10] =	ssyncset.done @!p2 $0x0  }
0x78: {  	s12 =	simm.s32 @!p3 $0x3;
	[sflag:s10] =	ssyncadd.s32 @!p2 $0xFFFFFE80;
	s10 =	sand.u32 @!p2 $0x3, s11  }
0x79: {  	s11 =	sand.u32 @!p2 $0x7, s11;
	s10 =	smul.u32 @!p2 $0xA000, s10;
	_ =	swait.ge @!p3 [sflag:s12], $0x2800  }
0x7a: {  	s11 =	smul.u32 @!p2 $0x600, s11;
	[sflag:s12] =	ssyncset.done @!p3 $0x0  }
0x7b: {  	[sflag:s12] =	ssyncadd.s32 @!p3 $0xFFFFD800  }
0x7c: {  	s10 =	sshrl.u32 @!p2 s10, $0x2;
	s11 =	sshrl.u32 @!p2 s11, $0x2;
	s12 =	simm.s32 @!p2 $0x50  }
0x7d: {  	p3 =	sgt.u32 @!p2 s22, $0x77;
	s10 =	sadd.s32 @!p2 $0x14480, s10;
	s11 =	sadd.s32 @!p2 $0x13880, s11  }
0x7e: {  	[tilespmem:s10], [sflag:$0x2] =	stream.indirect.gather @!p2 [hbm4b:s1+s12], $0x80, s11, s12, $0xb8;
	[tilespmem:$0x1F880] =	vst v63  }
0x7f: {  	p2 =	por p3, p2  }
0x80: {  	s10 =	sadd.s32 @!p2 $0x5, s22  }
0x81: {  	s11 =	sand.u32 @!p2 $0x7, s10  }
0x82: {  	s10 =	sshll.u32 @!p2 s10, $0x9;
	s11 =	smul.u32 @!p2 $0x600, s11  }
0x83: {  	s10 =	sadd.s32 @!p2 s6, s10  }
0x84: {  	s12 =	simm.s32 @!p2 $0x0;
	s10 =	sshrl.u32 @!p2 s10, $0x3;
	s11 =	sshrl.u32 @!p2 s11, $0x2  }
0x85: {  	s22 =	sadd.s32 $0x1, s22;
	s10 =	sadd.s32 @!p2 s5, s10;
	s11 =	sadd.s32 @!p2 $0x13880, s11  }
0x86: {  	[tilespmem:s11], [sflag:$0x1] =	stream.linear.gather @!p2 [hbm4b:s10+s12], $0x180, $0x38;
	[tilespmem:$0x1F880] =	vst v63  }
0x87: {  	p2 =	sne.s32 s22, $0x7D  }
.Ltmp8:
0x88: {  	_ = 	snop;
	(pc) =	sbr.rel @p2 .LBB2_8-.Ltmp8, $3  }
0x89: {  	_ =	sdelay $0x1  }
0x8a: {  	s28 =	sadd.s32 $0x13900, s23;
	s0 =	sadd.s32 $0x1, s0  }
0x8b: {  	[spmem:s3] =	stream.indirect.scatter.add.f32 [tilespmem:s25], [sflag:$0x3], $0x80, s28, s24, $0xb8;
	[tilespmem:$0x1F880] =	vst v63  }
0x8c: {  	_ =	swait.ge [sflag:s30], $0x2800  }
0x8d: {  	[sflag:s30] =	ssyncset.done $0x0  }
0x8e: {  	[sflag:s30] =	ssyncadd.s32 $0xFFFFD800  }
0x8f: {  	_ =	swait.ge [sflag:s30], $0x2800  }
0x90: {  	[sflag:s30] =	ssyncset.done $0x0  }
0x91: {  	[sflag:s30] =	ssyncadd.s32 $0xFFFFD800  }
0x92: {  	_ =	swait.ge [sflag:s30], $0x2800  }
0x93: {  	[sflag:s30] =	ssyncset.done $0x0  }
0x94: {  	[sflag:s30] =	ssyncadd.s32 $0xFFFFD800  }
.Ltmp9:
0x95: {  	_ =	swait.ge [sflag:s30], $0x2800;
	(pc) =	sbr.rel @p0 .LBB2_17-.Ltmp9, $3  }
0x96: {  	[sflag:s30] =	ssyncset.done $0x0  }
0x97: {  	[sflag:s30] =	ssyncadd.s32 $0xFFFFD800  }
0x98: {  	[bflag:$0x0] =	sbarrier.arrive $0xFFFF;
	_ =	sdelay $0x1  }
0x99: {  	[tilespmem:s17], [sflag:$0x4] =	stream.linear.gather [spmem:s15], $0x1400, $0x38;
	[tilespmem:$0x1F880] =	vst v63  }
0x9a: {  	_ =	swait.ge [sflag:s18], $0x1400  }
.Ltmp10:
0x9b: {  	[sflag:s18] =	ssyncset.done $0x0;
	(pc) =	sbr.rel @!p1 .LBB2_16-.Ltmp10, $4  }
0x9c: {  	[sflag:s18] =	ssyncadd.s32 $0xFFFFEC00  }
0x9d: {  	[hbm4b:s16+s4] =	stream.linear.scatter [tilespmem:s17], [sflag:$0x4], $0x1400, $0x38;
	[tilespmem:$0x1F880] =	vst v63  }
0x9e: {  	_ =	swait.ge [sflag:s18], $0x1400  }
0x9f: {  	s0 =	smov.u32 s16;
	s10 =	smov.u32 s15;
	[sflag:s18] =	ssyncset.done $0x0  }
.LBB2_15:
0xa0: {  	[sflag:s18] =	ssyncadd.s32 $0xFFFFEC00;
	s0 =	sadd.s32 $0x280, s0;
	s10 =	sadd.s32 $0x1400, s10  }
0xa1: {  	[tilespmem:s17], [sflag:$0x4] =	stream.linear.gather [spmem:s10], $0x1400, $0x38;
	[tilespmem:$0x1F880] =	vst v63  }
0xa2: {  	p1 =	sne.s32 s2, $0x1;
	s2 =	sadd.s32 $0xFFFFFFFF, s2;
	_ =	swait.ge [sflag:s18], $0x1400  }
.Ltmp11:
0xa3: {  	[sflag:s18] =	ssyncset.done $0x0;
	(pc) =	sbr.rel @p1 .LBB2_15-.Ltmp11, $4  }
0xa4: {  	[sflag:s18] =	ssyncadd.s32 $0xFFFFEC00  }
0xa5: {  	[hbm4b:s0+s4] =	stream.linear.scatter [tilespmem:s17], [sflag:$0x4], $0x1400, $0x38;
	[tilespmem:$0x1F880] =	vst v63  }
0xa6: {  	_ =	swait.ge [sflag:s18], $0x1400  }
0xa7: {  	[sflag:s18] =	ssyncset.done $0x0  }
.Ltmp12:
0xa8: {  	_ = 	snop;
	(pc) =	sbr.rel .LBB2_16-.Ltmp12, $1  }
0xa9: {  	_ =	sdelay $0x3  }
.LBB2_18:
0xaa: {  	_ =	sfence.sel $0x180000  }
0xab: {  	[bflag:$0x0] =	sbarrier.arrive $0xFFFF  }
0xac: {  	_ =	strace $0x90000047  }
0xad: {  	s0 =	stileid.u32;
	[bflag:$0x2] =	sbarrier.arrive $0xFFFF  }
0xae: {  	p0 =	sne.s32 s0, $0x0;
	s0 =	rddreg [dreg:$0x3]  }
0xaf: {  	s0 =	sadd.s32 @!p0 $0x100000, s0  }
0xb0: {  	[sflag:s0] =	ssyncadd.tile.s32 @!p0 $0x1;
	_ =	shalt  }
.Lfunc_end2:
_tile_overlayer_lowered:
.L_overlay_start_2:
0xb1: {  	(tag) =	ssettag $0x2  }
0xb2: {  	s0 =	rddreg [dreg:$0x0];
	s2 =	stileid.u32  }
0xb3: {  	s1 =	rddreg [dreg:$0x1];
	p0 =	sne.s32 s2, $0x0  }
0xb4: {  	s3 =	rddreg [dreg:$0x2];
	[bflag:$0x3] =	sbarrier.arrive $0xFFFF;
	s2 =	simm.s32 @!p0 $0x1C04  }
0xb5: {  	[timem:s3], [sflag:s2] =	dma.local @!p0 [hbm:s0], s1  }
0xb6: {  	s0 =	simm.s32 @!p0 $0x4  }
0xb7: {  	_ =	swait.ge @!p0 [sflag:s0], s1  }
0xb8: {  	s1 =	ssub.s32 @!p0 $0x0, s1;
	[sflag:s0] =	ssyncset.done @!p0 $0x0  }
0xb9: {  	[sflag:s0] =	ssyncadd.s32 @!p0 s1  }
0xba: {  	[bflag:$0x3] =	sbarrier.arrive $0xFFFF  }
0xbb: {  	_ =	shalt  }

</sc_bundles>
